<compile_context>
chip_gen: v7x
topology: tpu7x:2x2x1
jax: 0.10.2.dev20260603
libtpu: 0.0.44.dev20260713+nightly
codegen_flags: <defaults>
</compile_context>

<pallas_src>
import functools

import jax
import jax.numpy as jnp
from jax import lax
from jax.experimental import pallas as pl
from jax.experimental.pallas import tpu as pltpu
from jax.experimental.pallas import tpu_sc as plsc

B, T, D = 16, 576, 256
KSIZE = 1024
NROW = B * T


BR = 3072
CH = 1024


def _make_tc_body(br):
    def _tc_body(f_ref, k_ref, idx_ref, conf_ref):
        return _tc_top2_impl(f_ref, k_ref, idx_ref, conf_ref, br)
    return _tc_body


def _tc_top2_impl(f_ref, k_ref, idx_ref, conf_ref, BR):
    f = f_ref[...]
    big = jnp.float32(jnp.inf)

    m1 = jnp.full((BR,), big)
    i1 = jnp.full((BR,), KSIZE, jnp.int32)
    m2 = jnp.full((BR,), big)
    for j in range(KSIZE // CH):
        kc = k_ref[j * CH:(j + 1) * CH, :]
        kc2 = kc * -2.0
        s = lax.dot_general(
            kc2, f, (((1,), (1,)), ((), ())),
            preferred_element_type=jnp.float32,
            precision=lax.Precision.DEFAULT,
        )
        knc = jnp.sum(kc * kc, axis=1, keepdims=True)
        s = s + knc
        cm1 = jnp.min(s, axis=0)
        col = lax.broadcasted_iota(jnp.int32, (CH, BR), 0) + j * CH
        ci1 = jnp.min(jnp.where(s == cm1[None, :], col, KSIZE), axis=0)
        s2 = jnp.where(col == ci1[None, :], big, s)
        cm2 = jnp.min(s2, axis=0)
        i1 = jnp.where(cm1 < m1, ci1, i1)
        m2 = jnp.minimum(jnp.maximum(m1, cm1), jnp.minimum(m2, cm2))
        m1 = jnp.minimum(m1, cm1)

    fn = jnp.sum(f * f, axis=1)
    d1 = jnp.sqrt(jnp.maximum(m1 + fn, 1e-12))
    d2 = jnp.sqrt(jnp.maximum(m2 + fn, 1e-12))
    idx_ref[...] = i1
    conf = 1.0 - d1 / (d2 + 1e-8)
    conf_ref[...] = jnp.broadcast_to(conf[:, None], (BR, 16))


def _tc_top2(f, K, br=BR, interpret=False):
    nrow = f.shape[0]
    grid = nrow // br
    return pl.pallas_call(
        _make_tc_body(br),
        grid=(grid,),
        in_specs=[
            pl.BlockSpec((br, D), lambda i: (i, 0)),
            pl.BlockSpec((KSIZE, D), lambda i: (0, 0)),
        ],
        out_specs=[
            pl.BlockSpec((br,), lambda i: (i,)),
            pl.BlockSpec((br, 16), lambda i: (i, 0)),
        ],
        out_shape=[
            jax.ShapeDtypeStruct((nrow,), jnp.int32),
            jax.ShapeDtypeStruct((nrow, 16), jnp.float32),
        ],
        interpret=interpret,
    )(f, K)



NC, NS, L = 2, 16, 16
NW = NC * NS
RPW = NROW // NW
DCH = D // L


NCH = 4


def _make_sc_body(rpw):
    cr = rpw // NCH

    def _sc_body(k_hbm, idx_hbm, conf_hbm, out_hbm, idx_v, conf_v, rows_v,
                 gsems, osem):
        wid = lax.axis_index("s") * NC + lax.axis_index("c")
        base = wid * rpw
        pltpu.sync_copy(idx_hbm.at[pl.ds(base, rpw)], idx_v)
        pltpu.sync_copy(conf_hbm.at[pl.ds(base, rpw)], conf_v)
        handles = [
            pltpu.async_copy(
                k_hbm.at[idx_v.at[pl.ds(c * cr, cr)]],
                rows_v.at[pl.ds(c * cr, cr)], gsems[c])
            for c in range(NCH)
        ]
        out_handles = []
        for c in range(NCH):
            handles[c].wait()

            @plsc.parallel_loop(c * cr, (c + 1) * cr, 1, unroll=2)
            def _(r):
                cv = conf_v[r, :]
                for d in range(DCH):
                    sl = pl.ds(d * L, L)
                    rows_v[r, sl] = rows_v[r, sl] * cv

            out_handles.append(pltpu.async_copy(
                rows_v.at[pl.ds(c * cr, cr)],
                out_hbm.at[pl.ds(base + c * cr, cr)], osem))
        for h in out_handles:
            h.wait()
    return _sc_body


@functools.cache
def _sc_gather_scale(nrow):
    rpw = nrow // NW
    return pl.kernel(
        _make_sc_body(rpw),
        out_type=jax.ShapeDtypeStruct((nrow, D), jnp.float32),
        mesh=plsc.VectorSubcoreMesh(core_axis_name="c", subcore_axis_name="s"),
        scratch_types=[
            pltpu.VMEM((rpw,), jnp.int32),
            pltpu.VMEM((rpw, L), jnp.float32),
            pltpu.VMEM((rpw, D), jnp.float32),
            [pltpu.SemaphoreType.DMA] * NCH,
            pltpu.SemaphoreType.DMA,
        ],
    )



def kernel(f_ipm, K):
    orig_shape = f_ipm.shape
    f = f_ipm.reshape(-1, orig_shape[-1])
    idx, conf = _tc_top2(f, K)
    out = _sc_gather_scale(NROW)(K, idx, conf)
    return out.reshape(orig_shape)

# --- scband reference (transcript-rebuilt; emitter-appended) ---
"""Pipeline reference for scband-iplm-84318797955723 (READ-ONLY COPY).

The authoritative reference and input builder live on the scoring server;
editing this copy changes nothing except your own understanding.
"""

import jax, jax.numpy as jnp
import numpy as np

B, T, D = 16, 576, 256
KSIZE = 1024

def setup_inputs(seed: int = 0) -> dict:
    key = jax.random.key(seed)
    k1, k2 = jax.random.split(key)
    f_ipm = jax.random.normal(k1, (B, T, D), dtype=jnp.float32)
    K = jax.random.normal(k2, (KSIZE, D), dtype=jnp.float32)
    return {"f_ipm": f_ipm, "K": K}

def reference(f_ipm, K):
    # IPLM inference path (module.eval()):
    # top-2 nearest codebook entries, confidence-weighted nearest code.
    orig_shape = f_ipm.shape
    f = f_ipm.reshape(-1, orig_shape[-1])
    # torch.cdist equivalent (euclidean)
    sq = (jnp.sum(f * f, axis=1, keepdims=True)
          - 2.0 * (f @ K.T)
          + jnp.sum(K * K, axis=1)[None, :])
    distances = jnp.sqrt(jnp.maximum(sq, 1e-12))
    sorted_dists = jnp.sort(distances, axis=-1)
    sorted_indices = jnp.argsort(distances, axis=-1)
    d1 = sorted_dists[:, 0]
    d2 = sorted_dists[:, 1]
    k1_indices = sorted_indices[:, 0]
    k1 = jnp.take(K, k1_indices, axis=0)
    confidence = 1.0 - d1 / (d2 + 1e-8)
    confidence = confidence.reshape(orig_shape[0], orig_shape[1], 1)
    k1 = k1.reshape(orig_shape)
    f_ipmlm = confidence * k1
    return f_ipmlm

if __name__ == "__main__":
    import jax
    _d = setup_inputs()
    print(jax.jit(kernel)(*tuple(_d.values())))

</pallas_src>

<mosaic_0001>
#map = affine_map<(d0, d1) -> (0, 0)>
#map1 = affine_map<(d0, d1) -> (0)>
module attributes {stable_mosaic.version = 14 : i64} {
  func.func @_sc_body(%arg0: i32, %arg1: i32, %arg2: memref<1024x256xf32, #tpu.memory_space<hbm>>, %arg3: memref<9216xi32, #tpu.memory_space<hbm>>, %arg4: memref<9216x16xf32, #tpu.memory_space<hbm>>, %arg5: memref<9216x256xf32, #tpu.memory_space<hbm>>, %arg6: memref<288xi32, #tpu.memory_space<vmem>>, %arg7: memref<288x16xf32, #tpu.memory_space<vmem>>, %arg8: memref<288x256xf32, #tpu.memory_space<vmem>>, %arg9: memref<!tpu.dma_semaphore, #tpu.memory_space<semaphore_mem>>, %arg10: memref<!tpu.dma_semaphore, #tpu.memory_space<semaphore_mem>>, %arg11: memref<!tpu.dma_semaphore, #tpu.memory_space<semaphore_mem>>, %arg12: memref<!tpu.dma_semaphore, #tpu.memory_space<semaphore_mem>>, %arg13: memref<!tpu.dma_semaphore, #tpu.memory_space<semaphore_mem>>) attributes {dimension_semantics = [#tpu.dimension_semantics<core_parallel>, #tpu.dimension_semantics<subcore_parallel>], iteration_bounds = array<i64: 2, 16>, scalar_prefetch = 0 : i64, scratch_operands = 8 : i64, tpu.core_type = #tpu.core_type<sc_vector_subcore>, window_params = [{transform_indices = #map}, {transform_indices = #map1}, {transform_indices = #map}, {transform_indices = #map}]} {
    %mul3A = arith.constant 2 : i32
    %mul3A_0 = arith.muli %arg1, %mul3A : i32
    %add3A = arith.addi %mul3A_0, %arg0 : i32
    %mul3A_1 = arith.constant 288 : i32
    %mul3A_2 = arith.muli %add3A, %mul3A_1 : i32
    "tpu.region"() ({
      %run_scoped3A = tpu.sem_alloc : memref<!tpu.dma_semaphore, #tpu.memory_space<semaphore_mem>>
      %dma_start3A_164 = tpu.memref_slice %arg3[%mul3A_2] : memref<9216xi32, #tpu.memory_space<hbm>> -> memref<288xi32, #tpu.memory_space<hbm>>
      %dma_start3A_165 = tpu.memref_slice %arg3[%mul3A_2] : memref<9216xi32, #tpu.memory_space<hbm>> -> memref<288xi32, #tpu.memory_space<hbm>>
      tpu.enqueue_dma source(%dma_start3A_165 : memref<288xi32, #tpu.memory_space<hbm>>) target(%arg6 : memref<288xi32, #tpu.memory_space<vmem>>) target_semaphore(%run_scoped3A : memref<!tpu.dma_semaphore, #tpu.memory_space<semaphore_mem>>)
      %dma_wait3A_166 = tpu.memref_slice %arg3[%mul3A_2] : memref<9216xi32, #tpu.memory_space<hbm>> -> memref<288xi32, #tpu.memory_space<hbm>>
      %dma_wait3A_167 = tpu.memref_slice %arg3[%mul3A_2] : memref<9216xi32, #tpu.memory_space<hbm>> -> memref<288xi32, #tpu.memory_space<hbm>>
      tpu.wait_dma2 semaphore(%run_scoped3A : memref<!tpu.dma_semaphore, #tpu.memory_space<semaphore_mem>>) src(%dma_wait3A_167 : memref<288xi32, #tpu.memory_space<hbm>>) dst(%arg6 : memref<288xi32, #tpu.memory_space<vmem>>)
      tpu.yield
    }) : () -> ()
    "tpu.region"() ({
      %run_scoped3A = tpu.sem_alloc : memref<!tpu.dma_semaphore, #tpu.memory_space<semaphore_mem>>
      %dma_start3A_164 = arith.constant 0 : i32
      %dma_start3A_165 = tpu.memref_slice %arg4[%mul3A_2, %dma_start3A_164] : memref<9216x16xf32, #tpu.memory_space<hbm>> -> memref<288x16xf32, #tpu.memory_space<hbm>>
      %dma_start3A_166 = arith.constant 0 : i32
      %dma_start3A_167 = tpu.memref_slice %arg4[%mul3A_2, %dma_start3A_166] : memref<9216x16xf32, #tpu.memory_space<hbm>> -> memref<288x16xf32, #tpu.memory_space<hbm>>
      tpu.enqueue_dma source(%dma_start3A_167 : memref<288x16xf32, #tpu.memory_space<hbm>>) target(%arg7 : memref<288x16xf32, #tpu.memory_space<vmem>>) target_semaphore(%run_scoped3A : memref<!tpu.dma_semaphore, #tpu.memory_space<semaphore_mem>>)
      %dma_wait3A_168 = arith.constant 0 : i32
      %dma_wait3A_169 = tpu.memref_slice %arg4[%mul3A_2, %dma_wait3A_168] : memref<9216x16xf32, #tpu.memory_space<hbm>> -> memref<288x16xf32, #tpu.memory_space<hbm>>
      %dma_wait3A_170 = arith.constant 0 : i32
      %dma_wait3A_171 = tpu.memref_slice %arg4[%mul3A_2, %dma_wait3A_170] : memref<9216x16xf32, #tpu.memory_space<hbm>> -> memref<288x16xf32, #tpu.memory_space<hbm>>
      tpu.wait_dma2 semaphore(%run_scoped3A : memref<!tpu.dma_semaphore, #tpu.memory_space<semaphore_mem>>) src(%dma_wait3A_171 : memref<288x16xf32, #tpu.memory_space<hbm>>) dst(%arg7 : memref<288x16xf32, #tpu.memory_space<vmem>>)
      tpu.yield
    }) : () -> ()
    %dma_start3A = arith.constant 0 : i32
    %dma_start3A_3 = arith.constant 0 : i32
    %dma_start3A_4 = tpu.memref_slice %arg8[%dma_start3A, %dma_start3A_3] : memref<288x256xf32, #tpu.memory_space<vmem>> -> memref<72x256xf32, #tpu.memory_space<vmem>>
    %dma_start3A_5 = arith.constant 0 : i32
    %dma_start3A_6 = tpu.memref_slice %arg6[%dma_start3A_5] : memref<288xi32, #tpu.memory_space<vmem>> -> memref<72xi32, #tpu.memory_space<vmem>>
    %dma_start3A_7 = arith.constant 0 : i32
    %dma_start3A_8 = arith.constant 0 : i32
    %dma_start3A_9 = tpu.memref_slice %arg2[%dma_start3A_7, %dma_start3A_8] : memref<1024x256xf32, #tpu.memory_space<hbm>> -> memref<1024x256xf32, #tpu.memory_space<hbm>>
    tpu.enqueue_indirect_dma source(%dma_start3A_9 : memref<1024x256xf32, #tpu.memory_space<hbm>>) target(%dma_start3A_4 : memref<72x256xf32, #tpu.memory_space<vmem>>) offsets(%dma_start3A_6 : memref<72xi32, #tpu.memory_space<vmem>>) semaphore(%arg9 : memref<!tpu.dma_semaphore, #tpu.memory_space<semaphore_mem>>)
    %dma_start3A_10 = arith.constant 72 : i32
    %dma_start3A_11 = arith.constant 0 : i32
    %dma_start3A_12 = tpu.memref_slice %arg8[%dma_start3A_10, %dma_start3A_11] : memref<288x256xf32, #tpu.memory_space<vmem>> -> memref<72x256xf32, #tpu.memory_space<vmem>>
    %dma_start3A_13 = arith.constant 72 : i32
    %dma_start3A_14 = tpu.memref_slice %arg6[%dma_start3A_13] : memref<288xi32, #tpu.memory_space<vmem>> -> memref<72xi32, #tpu.memory_space<vmem>>
    %dma_start3A_15 = arith.constant 0 : i32
    %dma_start3A_16 = arith.constant 0 : i32
    %dma_start3A_17 = tpu.memref_slice %arg2[%dma_start3A_15, %dma_start3A_16] : memref<1024x256xf32, #tpu.memory_space<hbm>> -> memref<1024x256xf32, #tpu.memory_space<hbm>>
    tpu.enqueue_indirect_dma source(%dma_start3A_17 : memref<1024x256xf32, #tpu.memory_space<hbm>>) target(%dma_start3A_12 : memref<72x256xf32, #tpu.memory_space<vmem>>) offsets(%dma_start3A_14 : memref<72xi32, #tpu.memory_space<vmem>>) semaphore(%arg10 : memref<!tpu.dma_semaphore, #tpu.memory_space<semaphore_mem>>)
    %dma_start3A_18 = arith.constant 144 : i32
    %dma_start3A_19 = arith.constant 0 : i32
    %dma_start3A_20 = tpu.memref_slice %arg8[%dma_start3A_18, %dma_start3A_19] : memref<288x256xf32, #tpu.memory_space<vmem>> -> memref<72x256xf32, #tpu.memory_space<vmem>>
    %dma_start3A_21 = arith.constant 144 : i32
    %dma_start3A_22 = tpu.memref_slice %arg6[%dma_start3A_21] : memref<288xi32, #tpu.memory_space<vmem>> -> memref<72xi32, #tpu.memory_space<vmem>>
    %dma_start3A_23 = arith.constant 0 : i32
    %dma_start3A_24 = arith.constant 0 : i32
    %dma_start3A_25 = tpu.memref_slice %arg2[%dma_start3A_23, %dma_start3A_24] : memref<1024x256xf32, #tpu.memory_space<hbm>> -> memref<1024x256xf32, #tpu.memory_space<hbm>>
    tpu.enqueue_indirect_dma source(%dma_start3A_25 : memref<1024x256xf32, #tpu.memory_space<hbm>>) target(%dma_start3A_20 : memref<72x256xf32, #tpu.memory_space<vmem>>) offsets(%dma_start3A_22 : memref<72xi32, #tpu.memory_space<vmem>>) semaphore(%arg11 : memref<!tpu.dma_semaphore, #tpu.memory_space<semaphore_mem>>)
    %dma_start3A_26 = arith.constant 216 : i32
    %dma_start3A_27 = arith.constant 0 : i32
    %dma_start3A_28 = tpu.memref_slice %arg8[%dma_start3A_26, %dma_start3A_27] : memref<288x256xf32, #tpu.memory_space<vmem>> -> memref<72x256xf32, #tpu.memory_space<vmem>>
    %dma_start3A_29 = arith.constant 216 : i32
    %dma_start3A_30 = tpu.memref_slice %arg6[%dma_start3A_29] : memref<288xi32, #tpu.memory_space<vmem>> -> memref<72xi32, #tpu.memory_space<vmem>>
    %dma_start3A_31 = arith.constant 0 : i32
    %dma_start3A_32 = arith.constant 0 : i32
    %dma_start3A_33 = tpu.memref_slice %arg2[%dma_start3A_31, %dma_start3A_32] : memref<1024x256xf32, #tpu.memory_space<hbm>> -> memref<1024x256xf32, #tpu.memory_space<hbm>>
    tpu.enqueue_indirect_dma source(%dma_start3A_33 : memref<1024x256xf32, #tpu.memory_space<hbm>>) target(%dma_start3A_28 : memref<72x256xf32, #tpu.memory_space<vmem>>) offsets(%dma_start3A_30 : memref<72xi32, #tpu.memory_space<vmem>>) semaphore(%arg12 : memref<!tpu.dma_semaphore, #tpu.memory_space<semaphore_mem>>)
    %dma_wait3A = arith.constant 0 : i32
    %dma_wait3A_34 = arith.constant 0 : i32
    %dma_wait3A_35 = tpu.memref_slice %arg8[%dma_wait3A, %dma_wait3A_34] : memref<288x256xf32, #tpu.memory_space<vmem>> -> memref<72x256xf32, #tpu.memory_space<vmem>>
    %dma_wait3A_36 = arith.constant 0 : i32
    %dma_wait3A_37 = tpu.memref_slice %arg6[%dma_wait3A_36] : memref<288xi32, #tpu.memory_space<vmem>> -> memref<72xi32, #tpu.memory_space<vmem>>
    %dma_wait3A_38 = arith.constant 0 : i32
    %dma_wait3A_39 = arith.constant 0 : i32
    %dma_wait3A_40 = tpu.memref_slice %arg2[%dma_wait3A_38, %dma_wait3A_39] : memref<1024x256xf32, #tpu.memory_space<hbm>> -> memref<1024x256xf32, #tpu.memory_space<hbm>>
    tpu.wait_indirect_dma semaphore(%arg9 : memref<!tpu.dma_semaphore, #tpu.memory_space<semaphore_mem>>) src(%dma_wait3A_40 : memref<1024x256xf32, #tpu.memory_space<hbm>>) dst(%dma_wait3A_35 : memref<72x256xf32, #tpu.memory_space<vmem>>)
    %parallel_loop3A = arith.constant 0 : i32
    %parallel_loop3A_41 = arith.constant 72 : i32
    %parallel_loop3A_42 = arith.constant 1 : i32
    scf.for %parallel_loop3A_164 = %parallel_loop3A to %parallel_loop3A_41 step %parallel_loop3A_42  : i32 {
      %parallel_loop3A_165 = arith.index_cast %parallel_loop3A_164 : i32 to index
      %parallel_loop3A_166 = arith.constant 0 : index
      %parallel_loop3A_167 = tpu.vector_load %arg7[%parallel_loop3A_165, %parallel_loop3A_166] {strides = array<i32>} : memref<288x16xf32, #tpu.memory_space<vmem>>, vector<1x16xf32>,
      %parallel_loop3A_168 = vector.shape_cast %parallel_loop3A_167 : vector<1x16xf32> to vector<16xf32>
      %parallel_loop3A_169 = arith.index_cast %parallel_loop3A_164 : i32 to index
      %parallel_loop3A_170 = arith.constant 0 : index
      %parallel_loop3A_171 = tpu.vector_load %arg8[%parallel_loop3A_169, %parallel_loop3A_170] {strides = array<i32>} : memref<288x256xf32, #tpu.memory_space<vmem>>, vector<1x16xf32>,
      %parallel_loop3A_172 = vector.shape_cast %parallel_loop3A_171 : vector<1x16xf32> to vector<16xf32>
      %parallel_loop3A_173 = arith.mulf %parallel_loop3A_172, %parallel_loop3A_168 : vector<16xf32>
      %parallel_loop3A_174 = arith.index_cast %parallel_loop3A_164 : i32 to index
      %parallel_loop3A_175 = arith.constant 0 : index
      %parallel_loop3A_176 = tpu.vector_load %arg8[%parallel_loop3A_174, %parallel_loop3A_175] {strides = array<i32>} : memref<288x256xf32, #tpu.memory_space<vmem>>, vector<1x16xf32>,
      %parallel_loop3A_177 = vector.shape_cast %parallel_loop3A_176 : vector<1x16xf32> to vector<16xf32>
      %parallel_loop3A_178 = vector.shape_cast %parallel_loop3A_173 : vector<16xf32> to vector<1x16xf32>
      tpu.vector_store %arg8[%parallel_loop3A_174, %parallel_loop3A_175], %parallel_loop3A_178 {strides = array<i32>} : memref<288x256xf32, #tpu.memory_space<vmem>>, vector<1x16xf32>,
      %parallel_loop3A_179 = arith.index_cast %parallel_loop3A_164 : i32 to index
      %parallel_loop3A_180 = arith.constant 16 : index
      %parallel_loop3A_181 = tpu.vector_load %arg8[%parallel_loop3A_179, %parallel_loop3A_180] {strides = array<i32>} : memref<288x256xf32, #tpu.memory_space<vmem>>, vector<1x16xf32>,
      %parallel_loop3A_182 = vector.shape_cast %parallel_loop3A_181 : vector<1x16xf32> to vector<16xf32>
      %parallel_loop3A_183 = arith.mulf %parallel_loop3A_182, %parallel_loop3A_168 : vector<16xf32>
      %parallel_loop3A_184 = arith.index_cast %parallel_loop3A_164 : i32 to index
      %parallel_loop3A_185 = arith.constant 16 : index
      %parallel_loop3A_186 = tpu.vector_load %arg8[%parallel_loop3A_184, %parallel_loop3A_185] {strides = array<i32>} : memref<288x256xf32, #tpu.memory_space<vmem>>, vector<1x16xf32>,
      %parallel_loop3A_187 = vector.shape_cast %parallel_loop3A_186 : vector<1x16xf32> to vector<16xf32>
      %parallel_loop3A_188 = vector.shape_cast %parallel_loop3A_183 : vector<16xf32> to vector<1x16xf32>
      tpu.vector_store %arg8[%parallel_loop3A_184, %parallel_loop3A_185], %parallel_loop3A_188 {strides = array<i32>} : memref<288x256xf32, #tpu.memory_space<vmem>>, vector<1x16xf32>,
      %parallel_loop3A_189 = arith.index_cast %parallel_loop3A_164 : i32 to index
      %parallel_loop3A_190 = arith.constant 32 : index
      %parallel_loop3A_191 = tpu.vector_load %arg8[%parallel_loop3A_189, %parallel_loop3A_190] {strides = array<i32>} : memref<288x256xf32, #tpu.memory_space<vmem>>, vector<1x16xf32>,
      %parallel_loop3A_192 = vector.shape_cast %parallel_loop3A_191 : vector<1x16xf32> to vector<16xf32>
      %parallel_loop3A_193 = arith.mulf %parallel_loop3A_192, %parallel_loop3A_168 : vector<16xf32>
      %parallel_loop3A_194 = arith.index_cast %parallel_loop3A_164 : i32 to index
      %parallel_loop3A_195 = arith.constant 32 : index
      %parallel_loop3A_196 = tpu.vector_load %arg8[%parallel_loop3A_194, %parallel_loop3A_195] {strides = array<i32>} : memref<288x256xf32, #tpu.memory_space<vmem>>, vector<1x16xf32>,
      %parallel_loop3A_197 = vector.shape_cast %parallel_loop3A_196 : vector<1x16xf32> to vector<16xf32>
      %parallel_loop3A_198 = vector.shape_cast %parallel_loop3A_193 : vector<16xf32> to vector<1x16xf32>
      tpu.vector_store %arg8[%parallel_loop3A_194, %parallel_loop3A_195], %parallel_loop3A_198 {strides = array<i32>} : memref<288x256xf32, #tpu.memory_space<vmem>>, vector<1x16xf32>,
      %parallel_loop3A_199 = arith.index_cast %parallel_loop3A_164 : i32 to index
      %parallel_loop3A_200 = arith.constant 48 : index
      %parallel_loop3A_201 = tpu.vector_load %arg8[%parallel_loop3A_199, %parallel_loop3A_200] {strides = array<i32>} : memref<288x256xf32, #tpu.memory_space<vmem>>, vector<1x16xf32>,
      %parallel_loop3A_202 = vector.shape_cast %parallel_loop3A_201 : vector<1x16xf32> to vector<16xf32>
      %parallel_loop3A_203 = arith.mulf %parallel_loop3A_202, %parallel_loop3A_168 : vector<16xf32>
      %parallel_loop3A_204 = arith.index_cast %parallel_loop3A_164 : i32 to index
      %parallel_loop3A_205 = arith.constant 48 : index
      %parallel_loop3A_206 = tpu.vector_load %arg8[%parallel_loop3A_204, %parallel_loop3A_205] {strides = array<i32>} : memref<288x256xf32, #tpu.memory_space<vmem>>, vector<1x16xf32>,
      %parallel_loop3A_207 = vector.shape_cast %parallel_loop3A_206 : vector<1x16xf32> to vector<16xf32>
      %parallel_loop3A_208 = vector.shape_cast %parallel_loop3A_203 : vector<16xf32> to vector<1x16xf32>
      tpu.vector_store %arg8[%parallel_loop3A_204, %parallel_loop3A_205], %parallel_loop3A_208 {strides = array<i32>} : memref<288x256xf32, #tpu.memory_space<vmem>>, vector<1x16xf32>,
      %parallel_loop3A_209 = arith.index_cast %parallel_loop3A_164 : i32 to index
      %parallel_loop3A_210 = arith.constant 64 : index
      %parallel_loop3A_211 = tpu.vector_load %arg8[%parallel_loop3A_209, %parallel_loop3A_210] {strides = array<i32>} : memref<288x256xf32, #tpu.memory_space<vmem>>, vector<1x16xf32>,
      %parallel_loop3A_212 = vector.shape_cast %parallel_loop3A_211 : vector<1x16xf32> to vector<16xf32>
      %parallel_loop3A_213 = arith.mulf %parallel_loop3A_212, %parallel_loop3A_168 : vector<16xf32>
      %parallel_loop3A_214 = arith.index_cast %parallel_loop3A_164 : i32 to index
      %parallel_loop3A_215 = arith.constant 64 : index
      %parallel_loop3A_216 = tpu.vector_load %arg8[%parallel_loop3A_214, %parallel_loop3A_215] {strides = array<i32>} : memref<288x256xf32, #tpu.memory_space<vmem>>, vector<1x16xf32>,
      %parallel_loop3A_217 = vector.shape_cast %parallel_loop3A_216 : vector<1x16xf32> to vector<16xf32>
      %parallel_loop3A_218 = vector.shape_cast %parallel_loop3A_213 : vector<16xf32> to vector<1x16xf32>
      tpu.vector_store %arg8[%parallel_loop3A_214, %parallel_loop3A_215], %parallel_loop3A_218 {strides = array<i32>} : memref<288x256xf32, #tpu.memory_space<vmem>>, vector<1x16xf32>,
      %parallel_loop3A_219 = arith.index_cast %parallel_loop3A_164 : i32 to index
      %parallel_loop3A_220 = arith.constant 80 : index
      %parallel_loop3A_221 = tpu.vector_load %arg8[%parallel_loop3A_219, %parallel_loop3A_220] {strides = array<i32>} : memref<288x256xf32, #tpu.memory_space<vmem>>, vector<1x16xf32>,
      %parallel_loop3A_222 = vector.shape_cast %parallel_loop3A_221 : vector<1x16xf32> to vector<16xf32>
      %parallel_loop3A_223 = arith.mulf %parallel_loop3A_222, %parallel_loop3A_168 : vector<16xf32>
      %parallel_loop3A_224 = arith.index_cast %parallel_loop3A_164 : i32 to index
      %parallel_loop3A_225 = arith.constant 80 : index
      %parallel_loop3A_226 = tpu.vector_load %arg8[%parallel_loop3A_224, %parallel_loop3A_225] {strides = array<i32>} : memref<288x256xf32, #tpu.memory_space<vmem>>, vector<1x16xf32>,
      %parallel_loop3A_227 = vector.shape_cast %parallel_loop3A_226 : vector<1x16xf32> to vector<16xf32>
      %parallel_loop3A_228 = vector.shape_cast %parallel_loop3A_223 : vector<16xf32> to vector<1x16xf32>
      tpu.vector_store %arg8[%parallel_loop3A_224, %parallel_loop3A_225], %parallel_loop3A_228 {strides = array<i32>} : memref<288x256xf32, #tpu.memory_space<vmem>>, vector<1x16xf32>,
      %parallel_loop3A_229 = arith.index_cast %parallel_loop3A_164 : i32 to index
      %parallel_loop3A_230 = arith.constant 96 : index
      %parallel_loop3A_231 = tpu.vector_load %arg8[%parallel_loop3A_229, %parallel_loop3A_230] {strides = array<i32>} : memref<288x256xf32, #tpu.memory_space<vmem>>, vector<1x16xf32>,
      %parallel_loop3A_232 = vector.shape_cast %parallel_loop3A_231 : vector<1x16xf32> to vector<16xf32>
      %parallel_loop3A_233 = arith.mulf %parallel_loop3A_232, %parallel_loop3A_168 : vector<16xf32>
      %parallel_loop3A_234 = arith.index_cast %parallel_loop3A_164 : i32 to index
      %parallel_loop3A_235 = arith.constant 96 : index
      %parallel_loop3A_236 = tpu.vector_load %arg8[%parallel_loop3A_234, %parallel_loop3A_235] {strides = array<i32>} : memref<288x256xf32, #tpu.memory_space<vmem>>, vector<1x16xf32>,
      %parallel_loop3A_237 = vector.shape_cast %parallel_loop3A_236 : vector<1x16xf32> to vector<16xf32>
      %parallel_loop3A_238 = vector.shape_cast %parallel_loop3A_233 : vector<16xf32> to vector<1x16xf32>
      tpu.vector_store %arg8[%parallel_loop3A_234, %parallel_loop3A_235], %parallel_loop3A_238 {strides = array<i32>} : memref<288x256xf32, #tpu.memory_space<vmem>>, vector<1x16xf32>,
      %parallel_loop3A_239 = arith.index_cast %parallel_loop3A_164 : i32 to index
      %parallel_loop3A_240 = arith.constant 112 : index
      %parallel_loop3A_241 = tpu.vector_load %arg8[%parallel_loop3A_239, %parallel_loop3A_240] {strides = array<i32>} : memref<288x256xf32, #tpu.memory_space<vmem>>, vector<1x16xf32>,
      %parallel_loop3A_242 = vector.shape_cast %parallel_loop3A_241 : vector<1x16xf32> to vector<16xf32>
      %parallel_loop3A_243 = arith.mulf %parallel_loop3A_242, %parallel_loop3A_168 : vector<16xf32>
      %parallel_loop3A_244 = arith.index_cast %parallel_loop3A_164 : i32 to index
      %parallel_loop3A_245 = arith.constant 112 : index
      %parallel_loop3A_246 = tpu.vector_load %arg8[%parallel_loop3A_244, %parallel_loop3A_245] {strides = array<i32>} : memref<288x256xf32, #tpu.memory_space<vmem>>, vector<1x16xf32>,
      %parallel_loop3A_247 = vector.shape_cast %parallel_loop3A_246 : vector<1x16xf32> to vector<16xf32>
      %parallel_loop3A_248 = vector.shape_cast %parallel_loop3A_243 : vector<16xf32> to vector<1x16xf32>
      tpu.vector_store %arg8[%parallel_loop3A_244, %parallel_loop3A_245], %parallel_loop3A_248 {strides = array<i32>} : memref<288x256xf32, #tpu.memory_space<vmem>>, vector<1x16xf32>,
      %parallel_loop3A_249 = arith.index_cast %parallel_loop3A_164 : i32 to index
      %parallel_loop3A_250 = arith.constant 128 : index
      %parallel_loop3A_251 = tpu.vector_load %arg8[%parallel_loop3A_249, %parallel_loop3A_250] {strides = array<i32>} : memref<288x256xf32, #tpu.memory_space<vmem>>, vector<1x16xf32>,
      %parallel_loop3A_252 = vector.shape_cast %parallel_loop3A_251 : vector<1x16xf32> to vector<16xf32>
      %parallel_loop3A_253 = arith.mulf %parallel_loop3A_252, %parallel_loop3A_168 : vector<16xf32>
      %parallel_loop3A_254 = arith.index_cast %parallel_loop3A_164 : i32 to index
      %parallel_loop3A_255 = arith.constant 128 : index
      %parallel_loop3A_256 = tpu.vector_load %arg8[%parallel_loop3A_254, %parallel_loop3A_255] {strides = array<i32>} : memref<288x256xf32, #tpu.memory_space<vmem>>, vector<1x16xf32>,
      %parallel_loop3A_257 = vector.shape_cast %parallel_loop3A_256 : vector<1x16xf32> to vector<16xf32>
      %parallel_loop3A_258 = vector.shape_cast %parallel_loop3A_253 : vector<16xf32> to vector<1x16xf32>
      tpu.vector_store %arg8[%parallel_loop3A_254, %parallel_loop3A_255], %parallel_loop3A_258 {strides = array<i32>} : memref<288x256xf32, #tpu.memory_space<vmem>>, vector<1x16xf32>,
      %parallel_loop3A_259 = arith.index_cast %parallel_loop3A_164 : i32 to index
      %parallel_loop3A_260 = arith.constant 144 : index
      %parallel_loop3A_261 = tpu.vector_load %arg8[%parallel_loop3A_259, %parallel_loop3A_260] {strides = array<i32>} : memref<288x256xf32, #tpu.memory_space<vmem>>, vector<1x16xf32>,
      %parallel_loop3A_262 = vector.shape_cast %parallel_loop3A_261 : vector<1x16xf32> to vector<16xf32>
      %parallel_loop3A_263 = arith.mulf %parallel_loop3A_262, %parallel_loop3A_168 : vector<16xf32>
      %parallel_loop3A_264 = arith.index_cast %parallel_loop3A_164 : i32 to index
      %parallel_loop3A_265 = arith.constant 144 : index
      %parallel_loop3A_266 = tpu.vector_load %arg8[%parallel_loop3A_264, %parallel_loop3A_265] {strides = array<i32>} : memref<288x256xf32, #tpu.memory_space<vmem>>, vector<1x16xf32>,
      %parallel_loop3A_267 = vector.shape_cast %parallel_loop3A_266 : vector<1x16xf32> to vector<16xf32>
      %parallel_loop3A_268 = vector.shape_cast %parallel_loop3A_263 : vector<16xf32> to vector<1x16xf32>
      tpu.vector_store %arg8[%parallel_loop3A_264, %parallel_loop3A_265], %parallel_loop3A_268 {strides = array<i32>} : memref<288x256xf32, #tpu.memory_space<vmem>>, vector<1x16xf32>,
      %parallel_loop3A_269 = arith.index_cast %parallel_loop3A_164 : i32 to index
      %parallel_loop3A_270 = arith.constant 160 : index
      %parallel_loop3A_271 = tpu.vector_load %arg8[%parallel_loop3A_269, %parallel_loop3A_270] {strides = array<i32>} : memref<288x256xf32, #tpu.memory_space<vmem>>, vector<1x16xf32>,
      %parallel_loop3A_272 = vector.shape_cast %parallel_loop3A_271 : vector<1x16xf32> to vector<16xf32>
      %parallel_loop3A_273 = arith.mulf %parallel_loop3A_272, %parallel_loop3A_168 : vector<16xf32>
      %parallel_loop3A_274 = arith.index_cast %parallel_loop3A_164 : i32 to index
      %parallel_loop3A_275 = arith.constant 160 : index
      %parallel_loop3A_276 = tpu.vector_load %arg8[%parallel_loop3A_274, %parallel_loop3A_275] {strides = array<i32>} : memref<288x256xf32, #tpu.memory_space<vmem>>, vector<1x16xf32>,
      %parallel_loop3A_277 = vector.shape_cast %parallel_loop3A_276 : vector<1x16xf32> to vector<16xf32>
      %parallel_loop3A_278 = vector.shape_cast %parallel_loop3A_273 : vector<16xf32> to vector<1x16xf32>
      tpu.vector_store %arg8[%parallel_loop3A_274, %parallel_loop3A_275], %parallel_loop3A_278 {strides = array<i32>} : memref<288x256xf32, #tpu.memory_space<vmem>>, vector<1x16xf32>,
      %parallel_loop3A_279 = arith.index_cast %parallel_loop3A_164 : i32 to index
      %parallel_loop3A_280 = arith.constant 176 : index
      %parallel_loop3A_281 = tpu.vector_load %arg8[%parallel_loop3A_279, %parallel_loop3A_280] {strides = array<i32>} : memref<288x256xf32, #tpu.memory_space<vmem>>, vector<1x16xf32>,
      %parallel_loop3A_282 = vector.shape_cast %parallel_loop3A_281 : vector<1x16xf32> to vector<16xf32>
      %parallel_loop3A_283 = arith.mulf %parallel_loop3A_282, %parallel_loop3A_168 : vector<16xf32>
      %parallel_loop3A_284 = arith.index_cast %parallel_loop3A_164 : i32 to index
      %parallel_loop3A_285 = arith.constant 176 : index
      %parallel_loop3A_286 = tpu.vector_load %arg8[%parallel_loop3A_284, %parallel_loop3A_285] {strides = array<i32>} : memref<288x256xf32, #tpu.memory_space<vmem>>, vector<1x16xf32>,
      %parallel_loop3A_287 = vector.shape_cast %parallel_loop3A_286 : vector<1x16xf32> to vector<16xf32>
      %parallel_loop3A_288 = vector.shape_cast %parallel_loop3A_283 : vector<16xf32> to vector<1x16xf32>
      tpu.vector_store %arg8[%parallel_loop3A_284, %parallel_loop3A_285], %parallel_loop3A_288 {strides = array<i32>} : memref<288x256xf32, #tpu.memory_space<vmem>>, vector<1x16xf32>,
      %parallel_loop3A_289 = arith.index_cast %parallel_loop3A_164 : i32 to index
      %parallel_loop3A_290 = arith.constant 192 : index
      %parallel_loop3A_291 = tpu.vector_load %arg8[%parallel_loop3A_289, %parallel_loop3A_290] {strides = array<i32>} : memref<288x256xf32, #tpu.memory_space<vmem>>, vector<1x16xf32>,
      %parallel_loop3A_292 = vector.shape_cast %parallel_loop3A_291 : vector<1x16xf32> to vector<16xf32>
      %parallel_loop3A_293 = arith.mulf %parallel_loop3A_292, %parallel_loop3A_168 : vector<16xf32>
      %parallel_loop3A_294 = arith.index_cast %parallel_loop3A_164 : i32 to index
      %parallel_loop3A_295 = arith.constant 192 : index
      %parallel_loop3A_296 = tpu.vector_load %arg8[%parallel_loop3A_294, %parallel_loop3A_295] {strides = array<i32>} : memref<288x256xf32, #tpu.memory_space<vmem>>, vector<1x16xf32>,
      %parallel_loop3A_297 = vector.shape_cast %parallel_loop3A_296 : vector<1x16xf32> to vector<16xf32>
      %parallel_loop3A_298 = vector.shape_cast %parallel_loop3A_293 : vector<16xf32> to vector<1x16xf32>
      tpu.vector_store %arg8[%parallel_loop3A_294, %parallel_loop3A_295], %parallel_loop3A_298 {strides = array<i32>} : memref<288x256xf32, #tpu.memory_space<vmem>>, vector<1x16xf32>,
      %parallel_loop3A_299 = arith.index_cast %parallel_loop3A_164 : i32 to index
      %parallel_loop3A_300 = arith.constant 208 : index
      %parallel_loop3A_301 = tpu.vector_load %arg8[%parallel_loop3A_299, %parallel_loop3A_300] {strides = array<i32>} : memref<288x256xf32, #tpu.memory_space<vmem>>, vector<1x16xf32>,
      %parallel_loop3A_302 = vector.shape_cast %parallel_loop3A_301 : vector<1x16xf32> to vector<16xf32>
      %parallel_loop3A_303 = arith.mulf %parallel_loop3A_302, %parallel_loop3A_168 : vector<16xf32>
      %parallel_loop3A_304 = arith.index_cast %parallel_loop3A_164 : i32 to index
      %parallel_loop3A_305 = arith.constant 208 : index
      %parallel_loop3A_306 = tpu.vector_load %arg8[%parallel_loop3A_304, %parallel_loop3A_305] {strides = array<i32>} : memref<288x256xf32, #tpu.memory_space<vmem>>, vector<1x16xf32>,
      %parallel_loop3A_307 = vector.shape_cast %parallel_loop3A_306 : vector<1x16xf32> to vector<16xf32>
      %parallel_loop3A_308 = vector.shape_cast %parallel_loop3A_303 : vector<16xf32> to vector<1x16xf32>
      tpu.vector_store %arg8[%parallel_loop3A_304, %parallel_loop3A_305], %parallel_loop3A_308 {strides = array<i32>} : memref<288x256xf32, #tpu.memory_space<vmem>>, vector<1x16xf32>,
      %parallel_loop3A_309 = arith.index_cast %parallel_loop3A_164 : i32 to index
      %parallel_loop3A_310 = arith.constant 224 : index
      %parallel_loop3A_311 = tpu.vector_load %arg8[%parallel_loop3A_309, %parallel_loop3A_310] {strides = array<i32>} : memref<288x256xf32, #tpu.memory_space<vmem>>, vector<1x16xf32>,
      %parallel_loop3A_312 = vector.shape_cast %parallel_loop3A_311 : vector<1x16xf32> to vector<16xf32>
      %parallel_loop3A_313 = arith.mulf %parallel_loop3A_312, %parallel_loop3A_168 : vector<16xf32>
      %parallel_loop3A_314 = arith.index_cast %parallel_loop3A_164 : i32 to index
      %parallel_loop3A_315 = arith.constant 224 : index
      %parallel_loop3A_316 = tpu.vector_load %arg8[%parallel_loop3A_314, %parallel_loop3A_315] {strides = array<i32>} : memref<288x256xf32, #tpu.memory_space<vmem>>, vector<1x16xf32>,
      %parallel_loop3A_317 = vector.shape_cast %parallel_loop3A_316 : vector<1x16xf32> to vector<16xf32>
      %parallel_loop3A_318 = vector.shape_cast %parallel_loop3A_313 : vector<16xf32> to vector<1x16xf32>
      tpu.vector_store %arg8[%parallel_loop3A_314, %parallel_loop3A_315], %parallel_loop3A_318 {strides = array<i32>} : memref<288x256xf32, #tpu.memory_space<vmem>>, vector<1x16xf32>,
      %parallel_loop3A_319 = arith.index_cast %parallel_loop3A_164 : i32 to index
      %parallel_loop3A_320 = arith.constant 240 : index
      %parallel_loop3A_321 = tpu.vector_load %arg8[%parallel_loop3A_319, %parallel_loop3A_320] {strides = array<i32>} : memref<288x256xf32, #tpu.memory_space<vmem>>, vector<1x16xf32>,
      %parallel_loop3A_322 = vector.shape_cast %parallel_loop3A_321 : vector<1x16xf32> to vector<16xf32>
      %parallel_loop3A_323 = arith.mulf %parallel_loop3A_322, %parallel_loop3A_168 : vector<16xf32>
      %parallel_loop3A_324 = arith.index_cast %parallel_loop3A_164 : i32 to index
      %parallel_loop3A_325 = arith.constant 240 : index
      %parallel_loop3A_326 = tpu.vector_load %arg8[%parallel_loop3A_324, %parallel_loop3A_325] {strides = array<i32>} : memref<288x256xf32, #tpu.memory_space<vmem>>, vector<1x16xf32>,
      %parallel_loop3A_327 = vector.shape_cast %parallel_loop3A_326 : vector<1x16xf32> to vector<16xf32>
      %parallel_loop3A_328 = vector.shape_cast %parallel_loop3A_323 : vector<16xf32> to vector<1x16xf32>
      tpu.vector_store %arg8[%parallel_loop3A_324, %parallel_loop3A_325], %parallel_loop3A_328 {strides = array<i32>} : memref<288x256xf32, #tpu.memory_space<vmem>>, vector<1x16xf32>,
    } {sc.loop_unroll_factor = 2 : i64, sc.parallel_access}
    %add3A_43 = arith.constant 0 : i32
    %add3A_44 = arith.addi %mul3A_2, %add3A_43 : i32
    %dma_start3A_45 = arith.constant 0 : i32
    %dma_start3A_46 = arith.constant 0 : i32
    %dma_start3A_47 = tpu.memref_slice %arg8[%dma_start3A_45, %dma_start3A_46] : memref<288x256xf32, #tpu.memory_space<vmem>> -> memref<72x256xf32, #tpu.memory_space<vmem>>
    %dma_start3A_48 = arith.constant 0 : i32
    %dma_start3A_49 = tpu.memref_slice %arg5[%add3A_44, %dma_start3A_48] : memref<9216x256xf32, #tpu.memory_space<hbm>> -> memref<72x256xf32, #tpu.memory_space<hbm>>
    %dma_start3A_50 = arith.constant 0 : i32
    %dma_start3A_51 = tpu.memref_slice %arg5[%add3A_44, %dma_start3A_50] : memref<9216x256xf32, #tpu.memory_space<hbm>> -> memref<72x256xf32, #tpu.memory_space<hbm>>
    %dma_start3A_52 = arith.constant 0 : i32
    %dma_start3A_53 = arith.constant 0 : i32
    %dma_start3A_54 = tpu.memref_slice %arg8[%dma_start3A_52, %dma_start3A_53] : memref<288x256xf32, #tpu.memory_space<vmem>> -> memref<72x256xf32, #tpu.memory_space<vmem>>
    tpu.enqueue_dma source(%dma_start3A_54 : memref<72x256xf32, #tpu.memory_space<vmem>>) target(%dma_start3A_51 : memref<72x256xf32, #tpu.memory_space<hbm>>) target_semaphore(%arg13 : memref<!tpu.dma_semaphore, #tpu.memory_space<semaphore_mem>>)
    %dma_wait3A_55 = arith.constant 72 : i32
    %dma_wait3A_56 = arith.constant 0 : i32
    %dma_wait3A_57 = tpu.memref_slice %arg8[%dma_wait3A_55, %dma_wait3A_56] : memref<288x256xf32, #tpu.memory_space<vmem>> -> memref<72x256xf32, #tpu.memory_space<vmem>>
    %dma_wait3A_58 = arith.constant 72 : i32
    %dma_wait3A_59 = tpu.memref_slice %arg6[%dma_wait3A_58] : memref<288xi32, #tpu.memory_space<vmem>> -> memref<72xi32, #tpu.memory_space<vmem>>
    %dma_wait3A_60 = arith.constant 0 : i32
    %dma_wait3A_61 = arith.constant 0 : i32
    %dma_wait3A_62 = tpu.memref_slice %arg2[%dma_wait3A_60, %dma_wait3A_61] : memref<1024x256xf32, #tpu.memory_space<hbm>> -> memref<1024x256xf32, #tpu.memory_space<hbm>>
    tpu.wait_indirect_dma semaphore(%arg10 : memref<!tpu.dma_semaphore, #tpu.memory_space<semaphore_mem>>) src(%dma_wait3A_62 : memref<1024x256xf32, #tpu.memory_space<hbm>>) dst(%dma_wait3A_57 : memref<72x256xf32, #tpu.memory_space<vmem>>)
    %parallel_loop3A_63 = arith.constant 72 : i32
    %parallel_loop3A_64 = arith.constant 144 : i32
    %parallel_loop3A_65 = arith.constant 1 : i32
    scf.for %parallel_loop3A_164 = %parallel_loop3A_63 to %parallel_loop3A_64 step %parallel_loop3A_65  : i32 {
      %parallel_loop3A_165 = arith.index_cast %parallel_loop3A_164 : i32 to index
      %parallel_loop3A_166 = arith.constant 0 : index
      %parallel_loop3A_167 = tpu.vector_load %arg7[%parallel_loop3A_165, %parallel_loop3A_166] {strides = array<i32>} : memref<288x16xf32, #tpu.memory_space<vmem>>, vector<1x16xf32>,
      %parallel_loop3A_168 = vector.shape_cast %parallel_loop3A_167 : vector<1x16xf32> to vector<16xf32>
      %parallel_loop3A_169 = arith.index_cast %parallel_loop3A_164 : i32 to index
      %parallel_loop3A_170 = arith.constant 0 : index
      %parallel_loop3A_171 = tpu.vector_load %arg8[%parallel_loop3A_169, %parallel_loop3A_170] {strides = array<i32>} : memref<288x256xf32, #tpu.memory_space<vmem>>, vector<1x16xf32>,
      %parallel_loop3A_172 = vector.shape_cast %parallel_loop3A_171 : vector<1x16xf32> to vector<16xf32>
      %parallel_loop3A_173 = arith.mulf %parallel_loop3A_172, %parallel_loop3A_168 : vector<16xf32>
      %parallel_loop3A_174 = arith.index_cast %parallel_loop3A_164 : i32 to index
      %parallel_loop3A_175 = arith.constant 0 : index
      %parallel_loop3A_176 = tpu.vector_load %arg8[%parallel_loop3A_174, %parallel_loop3A_175] {strides = array<i32>} : memref<288x256xf32, #tpu.memory_space<vmem>>, vector<1x16xf32>,
      %parallel_loop3A_177 = vector.shape_cast %parallel_loop3A_176 : vector<1x16xf32> to vector<16xf32>
      %parallel_loop3A_178 = vector.shape_cast %parallel_loop3A_173 : vector<16xf32> to vector<1x16xf32>
      tpu.vector_store %arg8[%parallel_loop3A_174, %parallel_loop3A_175], %parallel_loop3A_178 {strides = array<i32>} : memref<288x256xf32, #tpu.memory_space<vmem>>, vector<1x16xf32>,
      %parallel_loop3A_179 = arith.index_cast %parallel_loop3A_164 : i32 to index
      %parallel_loop3A_180 = arith.constant 16 : index
      %parallel_loop3A_181 = tpu.vector_load %arg8[%parallel_loop3A_179, %parallel_loop3A_180] {strides = array<i32>} : memref<288x256xf32, #tpu.memory_space<vmem>>, vector<1x16xf32>,
      %parallel_loop3A_182 = vector.shape_cast %parallel_loop3A_181 : vector<1x16xf32> to vector<16xf32>
      %parallel_loop3A_183 = arith.mulf %parallel_loop3A_182, %parallel_loop3A_168 : vector<16xf32>
      %parallel_loop3A_184 = arith.index_cast %parallel_loop3A_164 : i32 to index
      %parallel_loop3A_185 = arith.constant 16 : index
      %parallel_loop3A_186 = tpu.vector_load %arg8[%parallel_loop3A_184, %parallel_loop3A_185] {strides = array<i32>} : memref<288x256xf32, #tpu.memory_space<vmem>>, vector<1x16xf32>,
      %parallel_loop3A_187 = vector.shape_cast %parallel_loop3A_186 : vector<1x16xf32> to vector<16xf32>
      %parallel_loop3A_188 = vector.shape_cast %parallel_loop3A_183 : vector<16xf32> to vector<1x16xf32>
      tpu.vector_store %arg8[%parallel_loop3A_184, %parallel_loop3A_185], %parallel_loop3A_188 {strides = array<i32>} : memref<288x256xf32, #tpu.memory_space<vmem>>, vector<1x16xf32>,
      %parallel_loop3A_189 = arith.index_cast %parallel_loop3A_164 : i32 to index
      %parallel_loop3A_190 = arith.constant 32 : index
      %parallel_loop3A_191 = tpu.vector_load %arg8[%parallel_loop3A_189, %parallel_loop3A_190] {strides = array<i32>} : memref<288x256xf32, #tpu.memory_space<vmem>>, vector<1x16xf32>,
      %parallel_loop3A_192 = vector.shape_cast %parallel_loop3A_191 : vector<1x16xf32> to vector<16xf32>
      %parallel_loop3A_193 = arith.mulf %parallel_loop3A_192, %parallel_loop3A_168 : vector<16xf32>
      %parallel_loop3A_194 = arith.index_cast %parallel_loop3A_164 : i32 to index
      %parallel_loop3A_195 = arith.constant 32 : index
      %parallel_loop3A_196 = tpu.vector_load %arg8[%parallel_loop3A_194, %parallel_loop3A_195] {strides = array<i32>} : memref<288x256xf32, #tpu.memory_space<vmem>>, vector<1x16xf32>,
      %parallel_loop3A_197 = vector.shape_cast %parallel_loop3A_196 : vector<1x16xf32> to vector<16xf32>
      %parallel_loop3A_198 = vector.shape_cast %parallel_loop3A_193 : vector<16xf32> to vector<1x16xf32>
      tpu.vector_store %arg8[%parallel_loop3A_194, %parallel_loop3A_195], %parallel_loop3A_198 {strides = array<i32>} : memref<288x256xf32, #tpu.memory_space<vmem>>, vector<1x16xf32>,
      %parallel_loop3A_199 = arith.index_cast %parallel_loop3A_164 : i32 to index
      %parallel_loop3A_200 = arith.constant 48 : index
      %parallel_loop3A_201 = tpu.vector_load %arg8[%parallel_loop3A_199, %parallel_loop3A_200] {strides = array<i32>} : memref<288x256xf32, #tpu.memory_space<vmem>>, vector<1x16xf32>,
      %parallel_loop3A_202 = vector.shape_cast %parallel_loop3A_201 : vector<1x16xf32> to vector<16xf32>
      %parallel_loop3A_203 = arith.mulf %parallel_loop3A_202, %parallel_loop3A_168 : vector<16xf32>
      %parallel_loop3A_204 = arith.index_cast %parallel_loop3A_164 : i32 to index
      %parallel_loop3A_205 = arith.constant 48 : index
      %parallel_loop3A_206 = tpu.vector_load %arg8[%parallel_loop3A_204, %parallel_loop3A_205] {strides = array<i32>} : memref<288x256xf32, #tpu.memory_space<vmem>>, vector<1x16xf32>,
      %parallel_loop3A_207 = vector.shape_cast %parallel_loop3A_206 : vector<1x16xf32> to vector<16xf32>
      %parallel_loop3A_208 = vector.shape_cast %parallel_loop3A_203 : vector<16xf32> to vector<1x16xf32>
      tpu.vector_store %arg8[%parallel_loop3A_204, %parallel_loop3A_205], %parallel_loop3A_208 {strides = array<i32>} : memref<288x256xf32, #tpu.memory_space<vmem>>, vector<1x16xf32>,
      %parallel_loop3A_209 = arith.index_cast %parallel_loop3A_164 : i32 to index
      %parallel_loop3A_210 = arith.constant 64 : index
      %parallel_loop3A_211 = tpu.vector_load %arg8[%parallel_loop3A_209, %parallel_loop3A_210] {strides = array<i32>} : memref<288x256xf32, #tpu.memory_space<vmem>>, vector<1x16xf32>,
      %parallel_loop3A_212 = vector.shape_cast %parallel_loop3A_211 : vector<1x16xf32> to vector<16xf32>
      %parallel_loop3A_213 = arith.mulf %parallel_loop3A_212, %parallel_loop3A_168 : vector<16xf32>
      %parallel_loop3A_214 = arith.index_cast %parallel_loop3A_164 : i32 to index
      %parallel_loop3A_215 = arith.constant 64 : index
      %parallel_loop3A_216 = tpu.vector_load %arg8[%parallel_loop3A_214, %parallel_loop3A_215] {strides = array<i32>} : memref<288x256xf32, #tpu.memory_space<vmem>>, vector<1x16xf32>,
      %parallel_loop3A_217 = vector.shape_cast %parallel_loop3A_216 : vector<1x16xf32> to vector<16xf32>
      %parallel_loop3A_218 = vector.shape_cast %parallel_loop3A_213 : vector<16xf32> to vector<1x16xf32>
      tpu.vector_store %arg8[%parallel_loop3A_214, %parallel_loop3A_215], %parallel_loop3A_218 {strides = array<i32>} : memref<288x256xf32, #tpu.memory_space<vmem>>, vector<1x16xf32>,
      %parallel_loop3A_219 = arith.index_cast %parallel_loop3A_164 : i32 to index
      %parallel_loop3A_220 = arith.constant 80 : index
      %parallel_loop3A_221 = tpu.vector_load %arg8[%parallel_loop3A_219, %parallel_loop3A_220] {strides = array<i32>} : memref<288x256xf32, #tpu.memory_space<vmem>>, vector<1x16xf32>,
      %parallel_loop3A_222 = vector.shape_cast %parallel_loop3A_221 : vector<1x16xf32> to vector<16xf32>
      %parallel_loop3A_223 = arith.mulf %parallel_loop3A_222, %parallel_loop3A_168 : vector<16xf32>
      %parallel_loop3A_224 = arith.index_cast %parallel_loop3A_164 : i32 to index
      %parallel_loop3A_225 = arith.constant 80 : index
      %parallel_loop3A_226 = tpu.vector_load %arg8[%parallel_loop3A_224, %parallel_loop3A_225] {strides = array<i32>} : memref<288x256xf32, #tpu.memory_space<vmem>>, vector<1x16xf32>,
      %parallel_loop3A_227 = vector.shape_cast %parallel_loop3A_226 : vector<1x16xf32> to vector<16xf32>
      %parallel_loop3A_228 = vector.shape_cast %parallel_loop3A_223 : vector<16xf32> to vector<1x16xf32>
      tpu.vector_store %arg8[%parallel_loop3A_224, %parallel_loop3A_225], %parallel_loop3A_228 {strides = array<i32>} : memref<288x256xf32, #tpu.memory_space<vmem>>, vector<1x16xf32>,
      %parallel_loop3A_229 = arith.index_cast %parallel_loop3A_164 : i32 to index
      %parallel_loop3A_230 = arith.constant 96 : index
      %parallel_loop3A_231 = tpu.vector_load %arg8[%parallel_loop3A_229, %parallel_loop3A_230] {strides = array<i32>} : memref<288x256xf32, #tpu.memory_space<vmem>>, vector<1x16xf32>,
      %parallel_loop3A_232 = vector.shape_cast %parallel_loop3A_231 : vector<1x16xf32> to vector<16xf32>
      %parallel_loop3A_233 = arith.mulf %parallel_loop3A_232, %parallel_loop3A_168 : vector<16xf32>
      %parallel_loop3A_234 = arith.index_cast %parallel_loop3A_164 : i32 to index
      %parallel_loop3A_235 = arith.constant 96 : index
      %parallel_loop3A_236 = tpu.vector_load %arg8[%parallel_loop3A_234, %parallel_loop3A_235] {strides = array<i32>} : memref<288x256xf32, #tpu.memory_space<vmem>>, vector<1x16xf32>,
      %parallel_loop3A_237 = vector.shape_cast %parallel_loop3A_236 : vector<1x16xf32> to vector<16xf32>
      %parallel_loop3A_238 = vector.shape_cast %parallel_loop3A_233 : vector<16xf32> to vector<1x16xf32>
      tpu.vector_store %arg8[%parallel_loop3A_234, %parallel_loop3A_235], %parallel_loop3A_238 {strides = array<i32>} : memref<288x256xf32, #tpu.memory_space<vmem>>, vector<1x16xf32>,
      %parallel_loop3A_239 = arith.index_cast %parallel_loop3A_164 : i32 to index
      %parallel_loop3A_240 = arith.constant 112 : index
      %parallel_loop3A_241 = tpu.vector_load %arg8[%parallel_loop3A_239, %parallel_loop3A_240] {strides = array<i32>} : memref<288x256xf32, #tpu.memory_space<vmem>>, vector<1x16xf32>,
      %parallel_loop3A_242 = vector.shape_cast %parallel_loop3A_241 : vector<1x16xf32> to vector<16xf32>
      %parallel_loop3A_243 = arith.mulf %parallel_loop3A_242, %parallel_loop3A_168 : vector<16xf32>
      %parallel_loop3A_244 = arith.index_cast %parallel_loop3A_164 : i32 to index
      %parallel_loop3A_245 = arith.constant 112 : index
      %parallel_loop3A_246 = tpu.vector_load %arg8[%parallel_loop3A_244, %parallel_loop3A_245] {strides = array<i32>} : memref<288x256xf32, #tpu.memory_space<vmem>>, vector<1x16xf32>,
      %parallel_loop3A_247 = vector.shape_cast %parallel_loop3A_246 : vector<1x16xf32> to vector<16xf32>
      %parallel_loop3A_248 = vector.shape_cast %parallel_loop3A_243 : vector<16xf32> to vector<1x16xf32>
      tpu.vector_store %arg8[%parallel_loop3A_244, %parallel_loop3A_245], %parallel_loop3A_248 {strides = array<i32>} : memref<288x256xf32, #tpu.memory_space<vmem>>, vector<1x16xf32>,
      %parallel_loop3A_249 = arith.index_cast %parallel_loop3A_164 : i32 to index
      %parallel_loop3A_250 = arith.constant 128 : index
      %parallel_loop3A_251 = tpu.vector_load %arg8[%parallel_loop3A_249, %parallel_loop3A_250] {strides = array<i32>} : memref<288x256xf32, #tpu.memory_space<vmem>>, vector<1x16xf32>,
      %parallel_loop3A_252 = vector.shape_cast %parallel_loop3A_251 : vector<1x16xf32> to vector<16xf32>
      %parallel_loop3A_253 = arith.mulf %parallel_loop3A_252, %parallel_loop3A_168 : vector<16xf32>
      %parallel_loop3A_254 = arith.index_cast %parallel_loop3A_164 : i32 to index
      %parallel_loop3A_255 = arith.constant 128 : index
      %parallel_loop3A_256 = tpu.vector_load %arg8[%parallel_loop3A_254, %parallel_loop3A_255] {strides = array<i32>} : memref<288x256xf32, #tpu.memory_space<vmem>>, vector<1x16xf32>,
      %parallel_loop3A_257 = vector.shape_cast %parallel_loop3A_256 : vector<1x16xf32> to vector<16xf32>
      %parallel_loop3A_258 = vector.shape_cast %parallel_loop3A_253 : vector<16xf32> to vector<1x16xf32>
      tpu.vector_store %arg8[%parallel_loop3A_254, %parallel_loop3A_255], %parallel_loop3A_258 {strides = array<i32>} : memref<288x256xf32, #tpu.memory_space<vmem>>, vector<1x16xf32>,
      %parallel_loop3A_259 = arith.index_cast %parallel_loop3A_164 : i32 to index
      %parallel_loop3A_260 = arith.constant 144 : index
      %parallel_loop3A_261 = tpu.vector_load %arg8[%parallel_loop3A_259, %parallel_loop3A_260] {strides = array<i32>} : memref<288x256xf32, #tpu.memory_space<vmem>>, vector<1x16xf32>,
      %parallel_loop3A_262 = vector.shape_cast %parallel_loop3A_261 : vector<1x16xf32> to vector<16xf32>
      %parallel_loop3A_263 = arith.mulf %parallel_loop3A_262, %parallel_loop3A_168 : vector<16xf32>
      %parallel_loop3A_264 = arith.index_cast %parallel_loop3A_164 : i32 to index
      %parallel_loop3A_265 = arith.constant 144 : index
      %parallel_loop3A_266 = tpu.vector_load %arg8[%parallel_loop3A_264, %parallel_loop3A_265] {strides = array<i32>} : memref<288x256xf32, #tpu.memory_space<vmem>>, vector<1x16xf32>,
      %parallel_loop3A_267 = vector.shape_cast %parallel_loop3A_266 : vector<1x16xf32> to vector<16xf32>
      %parallel_loop3A_268 = vector.shape_cast %parallel_loop3A_263 : vector<16xf32> to vector<1x16xf32>
      tpu.vector_store %arg8[%parallel_loop3A_264, %parallel_loop3A_265], %parallel_loop3A_268 {strides = array<i32>} : memref<288x256xf32, #tpu.memory_space<vmem>>, vector<1x16xf32>,
      %parallel_loop3A_269 = arith.index_cast %parallel_loop3A_164 : i32 to index
      %parallel_loop3A_270 = arith.constant 160 : index
      %parallel_loop3A_271 = tpu.vector_load %arg8[%parallel_loop3A_269, %parallel_loop3A_270] {strides = array<i32>} : memref<288x256xf32, #tpu.memory_space<vmem>>, vector<1x16xf32>,
      %parallel_loop3A_272 = vector.shape_cast %parallel_loop3A_271 : vector<1x16xf32> to vector<16xf32>
      %parallel_loop3A_273 = arith.mulf %parallel_loop3A_272, %parallel_loop3A_168 : vector<16xf32>
      %parallel_loop3A_274 = arith.index_cast %parallel_loop3A_164 : i32 to index
      %parallel_loop3A_275 = arith.constant 160 : index
      %parallel_loop3A_276 = tpu.vector_load %arg8[%parallel_loop3A_274, %parallel_loop3A_275] {strides = array<i32>} : memref<288x256xf32, #tpu.memory_space<vmem>>, vector<1x16xf32>,
      %parallel_loop3A_277 = vector.shape_cast %parallel_loop3A_276 : vector<1x16xf32> to vector<16xf32>
      %parallel_loop3A_278 = vector.shape_cast %parallel_loop3A_273 : vector<16xf32> to vector<1x16xf32>
      tpu.vector_store %arg8[%parallel_loop3A_274, %parallel_loop3A_275], %parallel_loop3A_278 {strides = array<i32>} : memref<288x256xf32, #tpu.memory_space<vmem>>, vector<1x16xf32>,
      %parallel_loop3A_279 = arith.index_cast %parallel_loop3A_164 : i32 to index
      %parallel_loop3A_280 = arith.constant 176 : index
      %parallel_loop3A_281 = tpu.vector_load %arg8[%parallel_loop3A_279, %parallel_loop3A_280] {strides = array<i32>} : memref<288x256xf32, #tpu.memory_space<vmem>>, vector<1x16xf32>,
      %parallel_loop3A_282 = vector.shape_cast %parallel_loop3A_281 : vector<1x16xf32> to vector<16xf32>
      %parallel_loop3A_283 = arith.mulf %parallel_loop3A_282, %parallel_loop3A_168 : vector<16xf32>
      %parallel_loop3A_284 = arith.index_cast %parallel_loop3A_164 : i32 to index
      %parallel_loop3A_285 = arith.constant 176 : index
      %parallel_loop3A_286 = tpu.vector_load %arg8[%parallel_loop3A_284, %parallel_loop3A_285] {strides = array<i32>} : memref<288x256xf32, #tpu.memory_space<vmem>>, vector<1x16xf32>,
      %parallel_loop3A_287 = vector.shape_cast %parallel_loop3A_286 : vector<1x16xf32> to vector<16xf32>
      %parallel_loop3A_288 = vector.shape_cast %parallel_loop3A_283 : vector<16xf32> to vector<1x16xf32>
      tpu.vector_store %arg8[%parallel_loop3A_284, %parallel_loop3A_285], %parallel_loop3A_288 {strides = array<i32>} : memref<288x256xf32, #tpu.memory_space<vmem>>, vector<1x16xf32>,
      %parallel_loop3A_289 = arith.index_cast %parallel_loop3A_164 : i32 to index
      %parallel_loop3A_290 = arith.constant 192 : index
      %parallel_loop3A_291 = tpu.vector_load %arg8[%parallel_loop3A_289, %parallel_loop3A_290] {strides = array<i32>} : memref<288x256xf32, #tpu.memory_space<vmem>>, vector<1x16xf32>,
      %parallel_loop3A_292 = vector.shape_cast %parallel_loop3A_291 : vector<1x16xf32> to vector<16xf32>
      %parallel_loop3A_293 = arith.mulf %parallel_loop3A_292, %parallel_loop3A_168 : vector<16xf32>
      %parallel_loop3A_294 = arith.index_cast %parallel_loop3A_164 : i32 to index
      %parallel_loop3A_295 = arith.constant 192 : index
      %parallel_loop3A_296 = tpu.vector_load %arg8[%parallel_loop3A_294, %parallel_loop3A_295] {strides = array<i32>} : memref<288x256xf32, #tpu.memory_space<vmem>>, vector<1x16xf32>,
      %parallel_loop3A_297 = vector.shape_cast %parallel_loop3A_296 : vector<1x16xf32> to vector<16xf32>
      %parallel_loop3A_298 = vector.shape_cast %parallel_loop3A_293 : vector<16xf32> to vector<1x16xf32>
      tpu.vector_store %arg8[%parallel_loop3A_294, %parallel_loop3A_295], %parallel_loop3A_298 {strides = array<i32>} : memref<288x256xf32, #tpu.memory_space<vmem>>, vector<1x16xf32>,
      %parallel_loop3A_299 = arith.index_cast %parallel_loop3A_164 : i32 to index
      %parallel_loop3A_300 = arith.constant 208 : index
      %parallel_loop3A_301 = tpu.vector_load %arg8[%parallel_loop3A_299, %parallel_loop3A_300] {strides = array<i32>} : memref<288x256xf32, #tpu.memory_space<vmem>>, vector<1x16xf32>,
      %parallel_loop3A_302 = vector.shape_cast %parallel_loop3A_301 : vector<1x16xf32> to vector<16xf32>
      %parallel_loop3A_303 = arith.mulf %parallel_loop3A_302, %parallel_loop3A_168 : vector<16xf32>
      %parallel_loop3A_304 = arith.index_cast %parallel_loop3A_164 : i32 to index
      %parallel_loop3A_305 = arith.constant 208 : index
      %parallel_loop3A_306 = tpu.vector_load %arg8[%parallel_loop3A_304, %parallel_loop3A_305] {strides = array<i32>} : memref<288x256xf32, #tpu.memory_space<vmem>>, vector<1x16xf32>,
      %parallel_loop3A_307 = vector.shape_cast %parallel_loop3A_306 : vector<1x16xf32> to vector<16xf32>
      %parallel_loop3A_308 = vector.shape_cast %parallel_loop3A_303 : vector<16xf32> to vector<1x16xf32>
      tpu.vector_store %arg8[%parallel_loop3A_304, %parallel_loop3A_305], %parallel_loop3A_308 {strides = array<i32>} : memref<288x256xf32, #tpu.memory_space<vmem>>, vector<1x16xf32>,
      %parallel_loop3A_309 = arith.index_cast %parallel_loop3A_164 : i32 to index
      %parallel_loop3A_310 = arith.constant 224 : index
      %parallel_loop3A_311 = tpu.vector_load %arg8[%parallel_loop3A_309, %parallel_loop3A_310] {strides = array<i32>} : memref<288x256xf32, #tpu.memory_space<vmem>>, vector<1x16xf32>,
      %parallel_loop3A_312 = vector.shape_cast %parallel_loop3A_311 : vector<1x16xf32> to vector<16xf32>
      %parallel_loop3A_313 = arith.mulf %parallel_loop3A_312, %parallel_loop3A_168 : vector<16xf32>
      %parallel_loop3A_314 = arith.index_cast %parallel_loop3A_164 : i32 to index
      %parallel_loop3A_315 = arith.constant 224 : index
      %parallel_loop3A_316 = tpu.vector_load %arg8[%parallel_loop3A_314, %parallel_loop3A_315] {strides = array<i32>} : memref<288x256xf32, #tpu.memory_space<vmem>>, vector<1x16xf32>,
      %parallel_loop3A_317 = vector.shape_cast %parallel_loop3A_316 : vector<1x16xf32> to vector<16xf32>
      %parallel_loop3A_318 = vector.shape_cast %parallel_loop3A_313 : vector<16xf32> to vector<1x16xf32>
      tpu.vector_store %arg8[%parallel_loop3A_314, %parallel_loop3A_315], %parallel_loop3A_318 {strides = array<i32>} : memref<288x256xf32, #tpu.memory_space<vmem>>, vector<1x16xf32>,
      %parallel_loop3A_319 = arith.index_cast %parallel_loop3A_164 : i32 to index
      %parallel_loop3A_320 = arith.constant 240 : index
      %parallel_loop3A_321 = tpu.vector_load %arg8[%parallel_loop3A_319, %parallel_loop3A_320] {strides = array<i32>} : memref<288x256xf32, #tpu.memory_space<vmem>>, vector<1x16xf32>,
      %parallel_loop3A_322 = vector.shape_cast %parallel_loop3A_321 : vector<1x16xf32> to vector<16xf32>
      %parallel_loop3A_323 = arith.mulf %parallel_loop3A_322, %parallel_loop3A_168 : vector<16xf32>
      %parallel_loop3A_324 = arith.index_cast %parallel_loop3A_164 : i32 to index
      %parallel_loop3A_325 = arith.constant 240 : index
      %parallel_loop3A_326 = tpu.vector_load %arg8[%parallel_loop3A_324, %parallel_loop3A_325] {strides = array<i32>} : memref<288x256xf32, #tpu.memory_space<vmem>>, vector<1x16xf32>,
      %parallel_loop3A_327 = vector.shape_cast %parallel_loop3A_326 : vector<1x16xf32> to vector<16xf32>
      %parallel_loop3A_328 = vector.shape_cast %parallel_loop3A_323 : vector<16xf32> to vector<1x16xf32>
      tpu.vector_store %arg8[%parallel_loop3A_324, %parallel_loop3A_325], %parallel_loop3A_328 {strides = array<i32>} : memref<288x256xf32, #tpu.memory_space<vmem>>, vector<1x16xf32>,
    } {sc.loop_unroll_factor = 2 : i64, sc.parallel_access}
    %add3A_66 = arith.constant 72 : i32
    %add3A_67 = arith.addi %mul3A_2, %add3A_66 : i32
    %dma_start3A_68 = arith.constant 72 : i32
    %dma_start3A_69 = arith.constant 0 : i32
    %dma_start3A_70 = tpu.memref_slice %arg8[%dma_start3A_68, %dma_start3A_69] : memref<288x256xf32, #tpu.memory_space<vmem>> -> memref<72x256xf32, #tpu.memory_space<vmem>>
    %dma_start3A_71 = arith.constant 0 : i32
    %dma_start3A_72 = tpu.memref_slice %arg5[%add3A_67, %dma_start3A_71] : memref<9216x256xf32, #tpu.memory_space<hbm>> -> memref<72x256xf32, #tpu.memory_space<hbm>>
    %dma_start3A_73 = arith.constant 0 : i32
    %dma_start3A_74 = tpu.memref_slice %arg5[%add3A_67, %dma_start3A_73] : memref<9216x256xf32, #tpu.memory_space<hbm>> -> memref<72x256xf32, #tpu.memory_space<hbm>>
    %dma_start3A_75 = arith.constant 72 : i32
    %dma_start3A_76 = arith.constant 0 : i32
    %dma_start3A_77 = tpu.memref_slice %arg8[%dma_start3A_75, %dma_start3A_76] : memref<288x256xf32, #tpu.memory_space<vmem>> -> memref<72x256xf32, #tpu.memory_space<vmem>>
    tpu.enqueue_dma source(%dma_start3A_77 : memref<72x256xf32, #tpu.memory_space<vmem>>) target(%dma_start3A_74 : memref<72x256xf32, #tpu.memory_space<hbm>>) target_semaphore(%arg13 : memref<!tpu.dma_semaphore, #tpu.memory_space<semaphore_mem>>)
    %dma_wait3A_78 = arith.constant 144 : i32
    %dma_wait3A_79 = arith.constant 0 : i32
    %dma_wait3A_80 = tpu.memref_slice %arg8[%dma_wait3A_78, %dma_wait3A_79] : memref<288x256xf32, #tpu.memory_space<vmem>> -> memref<72x256xf32, #tpu.memory_space<vmem>>
    %dma_wait3A_81 = arith.constant 144 : i32
    %dma_wait3A_82 = tpu.memref_slice %arg6[%dma_wait3A_81] : memref<288xi32, #tpu.memory_space<vmem>> -> memref<72xi32, #tpu.memory_space<vmem>>
    %dma_wait3A_83 = arith.constant 0 : i32
    %dma_wait3A_84 = arith.constant 0 : i32
    %dma_wait3A_85 = tpu.memref_slice %arg2[%dma_wait3A_83, %dma_wait3A_84] : memref<1024x256xf32, #tpu.memory_space<hbm>> -> memref<1024x256xf32, #tpu.memory_space<hbm>>
    tpu.wait_indirect_dma semaphore(%arg11 : memref<!tpu.dma_semaphore, #tpu.memory_space<semaphore_mem>>) src(%dma_wait3A_85 : memref<1024x256xf32, #tpu.memory_space<hbm>>) dst(%dma_wait3A_80 : memref<72x256xf32, #tpu.memory_space<vmem>>)
    %parallel_loop3A_86 = arith.constant 144 : i32
    %parallel_loop3A_87 = arith.constant 216 : i32
    %parallel_loop3A_88 = arith.constant 1 : i32
    scf.for %parallel_loop3A_164 = %parallel_loop3A_86 to %parallel_loop3A_87 step %parallel_loop3A_88  : i32 {
      %parallel_loop3A_165 = arith.index_cast %parallel_loop3A_164 : i32 to index
      %parallel_loop3A_166 = arith.constant 0 : index
      %parallel_loop3A_167 = tpu.vector_load %arg7[%parallel_loop3A_165, %parallel_loop3A_166] {strides = array<i32>} : memref<288x16xf32, #tpu.memory_space<vmem>>, vector<1x16xf32>,
      %parallel_loop3A_168 = vector.shape_cast %parallel_loop3A_167 : vector<1x16xf32> to vector<16xf32>
      %parallel_loop3A_169 = arith.index_cast %parallel_loop3A_164 : i32 to index
      %parallel_loop3A_170 = arith.constant 0 : index
      %parallel_loop3A_171 = tpu.vector_load %arg8[%parallel_loop3A_169, %parallel_loop3A_170] {strides = array<i32>} : memref<288x256xf32, #tpu.memory_space<vmem>>, vector<1x16xf32>,
      %parallel_loop3A_172 = vector.shape_cast %parallel_loop3A_171 : vector<1x16xf32> to vector<16xf32>
      %parallel_loop3A_173 = arith.mulf %parallel_loop3A_172, %parallel_loop3A_168 : vector<16xf32>
      %parallel_loop3A_174 = arith.index_cast %parallel_loop3A_164 : i32 to index
      %parallel_loop3A_175 = arith.constant 0 : index
      %parallel_loop3A_176 = tpu.vector_load %arg8[%parallel_loop3A_174, %parallel_loop3A_175] {strides = array<i32>} : memref<288x256xf32, #tpu.memory_space<vmem>>, vector<1x16xf32>,
      %parallel_loop3A_177 = vector.shape_cast %parallel_loop3A_176 : vector<1x16xf32> to vector<16xf32>
      %parallel_loop3A_178 = vector.shape_cast %parallel_loop3A_173 : vector<16xf32> to vector<1x16xf32>
      tpu.vector_store %arg8[%parallel_loop3A_174, %parallel_loop3A_175], %parallel_loop3A_178 {strides = array<i32>} : memref<288x256xf32, #tpu.memory_space<vmem>>, vector<1x16xf32>,
      %parallel_loop3A_179 = arith.index_cast %parallel_loop3A_164 : i32 to index
      %parallel_loop3A_180 = arith.constant 16 : index
      %parallel_loop3A_181 = tpu.vector_load %arg8[%parallel_loop3A_179, %parallel_loop3A_180] {strides = array<i32>} : memref<288x256xf32, #tpu.memory_space<vmem>>, vector<1x16xf32>,
      %parallel_loop3A_182 = vector.shape_cast %parallel_loop3A_181 : vector<1x16xf32> to vector<16xf32>
      %parallel_loop3A_183 = arith.mulf %parallel_loop3A_182, %parallel_loop3A_168 : vector<16xf32>
      %parallel_loop3A_184 = arith.index_cast %parallel_loop3A_164 : i32 to index
      %parallel_loop3A_185 = arith.constant 16 : index
      %parallel_loop3A_186 = tpu.vector_load %arg8[%parallel_loop3A_184, %parallel_loop3A_185] {strides = array<i32>} : memref<288x256xf32, #tpu.memory_space<vmem>>, vector<1x16xf32>,
      %parallel_loop3A_187 = vector.shape_cast %parallel_loop3A_186 : vector<1x16xf32> to vector<16xf32>
      %parallel_loop3A_188 = vector.shape_cast %parallel_loop3A_183 : vector<16xf32> to vector<1x16xf32>
      tpu.vector_store %arg8[%parallel_loop3A_184, %parallel_loop3A_185], %parallel_loop3A_188 {strides = array<i32>} : memref<288x256xf32, #tpu.memory_space<vmem>>, vector<1x16xf32>,
      %parallel_loop3A_189 = arith.index_cast %parallel_loop3A_164 : i32 to index
      %parallel_loop3A_190 = arith.constant 32 : index
      %parallel_loop3A_191 = tpu.vector_load %arg8[%parallel_loop3A_189, %parallel_loop3A_190] {strides = array<i32>} : memref<288x256xf32, #tpu.memory_space<vmem>>, vector<1x16xf32>,
      %parallel_loop3A_192 = vector.shape_cast %parallel_loop3A_191 : vector<1x16xf32> to vector<16xf32>
      %parallel_loop3A_193 = arith.mulf %parallel_loop3A_192, %parallel_loop3A_168 : vector<16xf32>
      %parallel_loop3A_194 = arith.index_cast %parallel_loop3A_164 : i32 to index
      %parallel_loop3A_195 = arith.constant 32 : index
      %parallel_loop3A_196 = tpu.vector_load %arg8[%parallel_loop3A_194, %parallel_loop3A_195] {strides = array<i32>} : memref<288x256xf32, #tpu.memory_space<vmem>>, vector<1x16xf32>,
      %parallel_loop3A_197 = vector.shape_cast %parallel_loop3A_196 : vector<1x16xf32> to vector<16xf32>
      %parallel_loop3A_198 = vector.shape_cast %parallel_loop3A_193 : vector<16xf32> to vector<1x16xf32>
      tpu.vector_store %arg8[%parallel_loop3A_194, %parallel_loop3A_195], %parallel_loop3A_198 {strides = array<i32>} : memref<288x256xf32, #tpu.memory_space<vmem>>, vector<1x16xf32>,
      %parallel_loop3A_199 = arith.index_cast %parallel_loop3A_164 : i32 to index
      %parallel_loop3A_200 = arith.constant 48 : index
      %parallel_loop3A_201 = tpu.vector_load %arg8[%parallel_loop3A_199, %parallel_loop3A_200] {strides = array<i32>} : memref<288x256xf32, #tpu.memory_space<vmem>>, vector<1x16xf32>,
      %parallel_loop3A_202 = vector.shape_cast %parallel_loop3A_201 : vector<1x16xf32> to vector<16xf32>
      %parallel_loop3A_203 = arith.mulf %parallel_loop3A_202, %parallel_loop3A_168 : vector<16xf32>
      %parallel_loop3A_204 = arith.index_cast %parallel_loop3A_164 : i32 to index
      %parallel_loop3A_205 = arith.constant 48 : index
      %parallel_loop3A_206 = tpu.vector_load %arg8[%parallel_loop3A_204, %parallel_loop3A_205] {strides = array<i32>} : memref<288x256xf32, #tpu.memory_space<vmem>>, vector<1x16xf32>,
      %parallel_loop3A_207 = vector.shape_cast %parallel_loop3A_206 : vector<1x16xf32> to vector<16xf32>
      %parallel_loop3A_208 = vector.shape_cast %parallel_loop3A_203 : vector<16xf32> to vector<1x16xf32>
      tpu.vector_store %arg8[%parallel_loop3A_204, %parallel_loop3A_205], %parallel_loop3A_208 {strides = array<i32>} : memref<288x256xf32, #tpu.memory_space<vmem>>, vector<1x16xf32>,
      %parallel_loop3A_209 = arith.index_cast %parallel_loop3A_164 : i32 to index
      %parallel_loop3A_210 = arith.constant 64 : index
      %parallel_loop3A_211 = tpu.vector_load %arg8[%parallel_loop3A_209, %parallel_loop3A_210] {strides = array<i32>} : memref<288x256xf32, #tpu.memory_space<vmem>>, vector<1x16xf32>,
      %parallel_loop3A_212 = vector.shape_cast %parallel_loop3A_211 : vector<1x16xf32> to vector<16xf32>
      %parallel_loop3A_213 = arith.mulf %parallel_loop3A_212, %parallel_loop3A_168 : vector<16xf32>
      %parallel_loop3A_214 = arith.index_cast %parallel_loop3A_164 : i32 to index
      %parallel_loop3A_215 = arith.constant 64 : index
      %parallel_loop3A_216 = tpu.vector_load %arg8[%parallel_loop3A_214, %parallel_loop3A_215] {strides = array<i32>} : memref<288x256xf32, #tpu.memory_space<vmem>>, vector<1x16xf32>,
      %parallel_loop3A_217 = vector.shape_cast %parallel_loop3A_216 : vector<1x16xf32> to vector<16xf32>
      %parallel_loop3A_218 = vector.shape_cast %parallel_loop3A_213 : vector<16xf32> to vector<1x16xf32>
      tpu.vector_store %arg8[%parallel_loop3A_214, %parallel_loop3A_215], %parallel_loop3A_218 {strides = array<i32>} : memref<288x256xf32, #tpu.memory_space<vmem>>, vector<1x16xf32>,
      %parallel_loop3A_219 = arith.index_cast %parallel_loop3A_164 : i32 to index
      %parallel_loop3A_220 = arith.constant 80 : index
      %parallel_loop3A_221 = tpu.vector_load %arg8[%parallel_loop3A_219, %parallel_loop3A_220] {strides = array<i32>} : memref<288x256xf32, #tpu.memory_space<vmem>>, vector<1x16xf32>,
      %parallel_loop3A_222 = vector.shape_cast %parallel_loop3A_221 : vector<1x16xf32> to vector<16xf32>
      %parallel_loop3A_223 = arith.mulf %parallel_loop3A_222, %parallel_loop3A_168 : vector<16xf32>
      %parallel_loop3A_224 = arith.index_cast %parallel_loop3A_164 : i32 to index
      %parallel_loop3A_225 = arith.constant 80 : index
      %parallel_loop3A_226 = tpu.vector_load %arg8[%parallel_loop3A_224, %parallel_loop3A_225] {strides = array<i32>} : memref<288x256xf32, #tpu.memory_space<vmem>>, vector<1x16xf32>,
      %parallel_loop3A_227 = vector.shape_cast %parallel_loop3A_226 : vector<1x16xf32> to vector<16xf32>
      %parallel_loop3A_228 = vector.shape_cast %parallel_loop3A_223 : vector<16xf32> to vector<1x16xf32>
      tpu.vector_store %arg8[%parallel_loop3A_224, %parallel_loop3A_225], %parallel_loop3A_228 {strides = array<i32>} : memref<288x256xf32, #tpu.memory_space<vmem>>, vector<1x16xf32>,
      %parallel_loop3A_229 = arith.index_cast %parallel_loop3A_164 : i32 to index
      %parallel_loop3A_230 = arith.constant 96 : index
      %parallel_loop3A_231 = tpu.vector_load %arg8[%parallel_loop3A_229, %parallel_loop3A_230] {strides = array<i32>} : memref<288x256xf32, #tpu.memory_space<vmem>>, vector<1x16xf32>,
      %parallel_loop3A_232 = vector.shape_cast %parallel_loop3A_231 : vector<1x16xf32> to vector<16xf32>
      %parallel_loop3A_233 = arith.mulf %parallel_loop3A_232, %parallel_loop3A_168 : vector<16xf32>
      %parallel_loop3A_234 = arith.index_cast %parallel_loop3A_164 : i32 to index
      %parallel_loop3A_235 = arith.constant 96 : index
      %parallel_loop3A_236 = tpu.vector_load %arg8[%parallel_loop3A_234, %parallel_loop3A_235] {strides = array<i32>} : memref<288x256xf32, #tpu.memory_space<vmem>>, vector<1x16xf32>,
      %parallel_loop3A_237 = vector.shape_cast %parallel_loop3A_236 : vector<1x16xf32> to vector<16xf32>
      %parallel_loop3A_238 = vector.shape_cast %parallel_loop3A_233 : vector<16xf32> to vector<1x16xf32>
      tpu.vector_store %arg8[%parallel_loop3A_234, %parallel_loop3A_235], %parallel_loop3A_238 {strides = array<i32>} : memref<288x256xf32, #tpu.memory_space<vmem>>, vector<1x16xf32>,
      %parallel_loop3A_239 = arith.index_cast %parallel_loop3A_164 : i32 to index
      %parallel_loop3A_240 = arith.constant 112 : index
      %parallel_loop3A_241 = tpu.vector_load %arg8[%parallel_loop3A_239, %parallel_loop3A_240] {strides = array<i32>} : memref<288x256xf32, #tpu.memory_space<vmem>>, vector<1x16xf32>,
      %parallel_loop3A_242 = vector.shape_cast %parallel_loop3A_241 : vector<1x16xf32> to vector<16xf32>
      %parallel_loop3A_243 = arith.mulf %parallel_loop3A_242, %parallel_loop3A_168 : vector<16xf32>
      %parallel_loop3A_244 = arith.index_cast %parallel_loop3A_164 : i32 to index
      %parallel_loop3A_245 = arith.constant 112 : index
      %parallel_loop3A_246 = tpu.vector_load %arg8[%parallel_loop3A_244, %parallel_loop3A_245] {strides = array<i32>} : memref<288x256xf32, #tpu.memory_space<vmem>>, vector<1x16xf32>,
      %parallel_loop3A_247 = vector.shape_cast %parallel_loop3A_246 : vector<1x16xf32> to vector<16xf32>
      %parallel_loop3A_248 = vector.shape_cast %parallel_loop3A_243 : vector<16xf32> to vector<1x16xf32>
      tpu.vector_store %arg8[%parallel_loop3A_244, %parallel_loop3A_245], %parallel_loop3A_248 {strides = array<i32>} : memref<288x256xf32, #tpu.memory_space<vmem>>, vector<1x16xf32>,
      %parallel_loop3A_249 = arith.index_cast %parallel_loop3A_164 : i32 to index
      %parallel_loop3A_250 = arith.constant 128 : index
      %parallel_loop3A_251 = tpu.vector_load %arg8[%parallel_loop3A_249, %parallel_loop3A_250] {strides = array<i32>} : memref<288x256xf32, #tpu.memory_space<vmem>>, vector<1x16xf32>,
      %parallel_loop3A_252 = vector.shape_cast %parallel_loop3A_251 : vector<1x16xf32> to vector<16xf32>
      %parallel_loop3A_253 = arith.mulf %parallel_loop3A_252, %parallel_loop3A_168 : vector<16xf32>
      %parallel_loop3A_254 = arith.index_cast %parallel_loop3A_164 : i32 to index
      %parallel_loop3A_255 = arith.constant 128 : index
      %parallel_loop3A_256 = tpu.vector_load %arg8[%parallel_loop3A_254, %parallel_loop3A_255] {strides = array<i32>} : memref<288x256xf32, #tpu.memory_space<vmem>>, vector<1x16xf32>,
      %parallel_loop3A_257 = vector.shape_cast %parallel_loop3A_256 : vector<1x16xf32> to vector<16xf32>
      %parallel_loop3A_258 = vector.shape_cast %parallel_loop3A_253 : vector<16xf32> to vector<1x16xf32>
      tpu.vector_store %arg8[%parallel_loop3A_254, %parallel_loop3A_255], %parallel_loop3A_258 {strides = array<i32>} : memref<288x256xf32, #tpu.memory_space<vmem>>, vector<1x16xf32>,
      %parallel_loop3A_259 = arith.index_cast %parallel_loop3A_164 : i32 to index
      %parallel_loop3A_260 = arith.constant 144 : index
      %parallel_loop3A_261 = tpu.vector_load %arg8[%parallel_loop3A_259, %parallel_loop3A_260] {strides = array<i32>} : memref<288x256xf32, #tpu.memory_space<vmem>>, vector<1x16xf32>,
      %parallel_loop3A_262 = vector.shape_cast %parallel_loop3A_261 : vector<1x16xf32> to vector<16xf32>
      %parallel_loop3A_263 = arith.mulf %parallel_loop3A_262, %parallel_loop3A_168 : vector<16xf32>
      %parallel_loop3A_264 = arith.index_cast %parallel_loop3A_164 : i32 to index
      %parallel_loop3A_265 = arith.constant 144 : index
      %parallel_loop3A_266 = tpu.vector_load %arg8[%parallel_loop3A_264, %parallel_loop3A_265] {strides = array<i32>} : memref<288x256xf32, #tpu.memory_space<vmem>>, vector<1x16xf32>,
      %parallel_loop3A_267 = vector.shape_cast %parallel_loop3A_266 : vector<1x16xf32> to vector<16xf32>
      %parallel_loop3A_268 = vector.shape_cast %parallel_loop3A_263 : vector<16xf32> to vector<1x16xf32>
      tpu.vector_store %arg8[%parallel_loop3A_264, %parallel_loop3A_265], %parallel_loop3A_268 {strides = array<i32>} : memref<288x256xf32, #tpu.memory_space<vmem>>, vector<1x16xf32>,
      %parallel_loop3A_269 = arith.index_cast %parallel_loop3A_164 : i32 to index
      %parallel_loop3A_270 = arith.constant 160 : index
      %parallel_loop3A_271 = tpu.vector_load %arg8[%parallel_loop3A_269, %parallel_loop3A_270] {strides = array<i32>} : memref<288x256xf32, #tpu.memory_space<vmem>>, vector<1x16xf32>,
      %parallel_loop3A_272 = vector.shape_cast %parallel_loop3A_271 : vector<1x16xf32> to vector<16xf32>
      %parallel_loop3A_273 = arith.mulf %parallel_loop3A_272, %parallel_loop3A_168 : vector<16xf32>
      %parallel_loop3A_274 = arith.index_cast %parallel_loop3A_164 : i32 to index
      %parallel_loop3A_275 = arith.constant 160 : index
      %parallel_loop3A_276 = tpu.vector_load %arg8[%parallel_loop3A_274, %parallel_loop3A_275] {strides = array<i32>} : memref<288x256xf32, #tpu.memory_space<vmem>>, vector<1x16xf32>,
      %parallel_loop3A_277 = vector.shape_cast %parallel_loop3A_276 : vector<1x16xf32> to vector<16xf32>
      %parallel_loop3A_278 = vector.shape_cast %parallel_loop3A_273 : vector<16xf32> to vector<1x16xf32>
      tpu.vector_store %arg8[%parallel_loop3A_274, %parallel_loop3A_275], %parallel_loop3A_278 {strides = array<i32>} : memref<288x256xf32, #tpu.memory_space<vmem>>, vector<1x16xf32>,
      %parallel_loop3A_279 = arith.index_cast %parallel_loop3A_164 : i32 to index
      %parallel_loop3A_280 = arith.constant 176 : index
      %parallel_loop3A_281 = tpu.vector_load %arg8[%parallel_loop3A_279, %parallel_loop3A_280] {strides = array<i32>} : memref<288x256xf32, #tpu.memory_space<vmem>>, vector<1x16xf32>,
      %parallel_loop3A_282 = vector.shape_cast %parallel_loop3A_281 : vector<1x16xf32> to vector<16xf32>
      %parallel_loop3A_283 = arith.mulf %parallel_loop3A_282, %parallel_loop3A_168 : vector<16xf32>
      %parallel_loop3A_284 = arith.index_cast %parallel_loop3A_164 : i32 to index
      %parallel_loop3A_285 = arith.constant 176 : index
      %parallel_loop3A_286 = tpu.vector_load %arg8[%parallel_loop3A_284, %parallel_loop3A_285] {strides = array<i32>} : memref<288x256xf32, #tpu.memory_space<vmem>>, vector<1x16xf32>,
      %parallel_loop3A_287 = vector.shape_cast %parallel_loop3A_286 : vector<1x16xf32> to vector<16xf32>
      %parallel_loop3A_288 = vector.shape_cast %parallel_loop3A_283 : vector<16xf32> to vector<1x16xf32>
      tpu.vector_store %arg8[%parallel_loop3A_284, %parallel_loop3A_285], %parallel_loop3A_288 {strides = array<i32>} : memref<288x256xf32, #tpu.memory_space<vmem>>, vector<1x16xf32>,
      %parallel_loop3A_289 = arith.index_cast %parallel_loop3A_164 : i32 to index
      %parallel_loop3A_290 = arith.constant 192 : index
      %parallel_loop3A_291 = tpu.vector_load %arg8[%parallel_loop3A_289, %parallel_loop3A_290] {strides = array<i32>} : memref<288x256xf32, #tpu.memory_space<vmem>>, vector<1x16xf32>,
      %parallel_loop3A_292 = vector.shape_cast %parallel_loop3A_291 : vector<1x16xf32> to vector<16xf32>
      %parallel_loop3A_293 = arith.mulf %parallel_loop3A_292, %parallel_loop3A_168 : vector<16xf32>
      %parallel_loop3A_294 = arith.index_cast %parallel_loop3A_164 : i32 to index
      %parallel_loop3A_295 = arith.constant 192 : index
      %parallel_loop3A_296 = tpu.vector_load %arg8[%parallel_loop3A_294, %parallel_loop3A_295] {strides = array<i32>} : memref<288x256xf32, #tpu.memory_space<vmem>>, vector<1x16xf32>,
      %parallel_loop3A_297 = vector.shape_cast %parallel_loop3A_296 : vector<1x16xf32> to vector<16xf32>
      %parallel_loop3A_298 = vector.shape_cast %parallel_loop3A_293 : vector<16xf32> to vector<1x16xf32>
      tpu.vector_store %arg8[%parallel_loop3A_294, %parallel_loop3A_295], %parallel_loop3A_298 {strides = array<i32>} : memref<288x256xf32, #tpu.memory_space<vmem>>, vector<1x16xf32>,
      %parallel_loop3A_299 = arith.index_cast %parallel_loop3A_164 : i32 to index
      %parallel_loop3A_300 = arith.constant 208 : index
      %parallel_loop3A_301 = tpu.vector_load %arg8[%parallel_loop3A_299, %parallel_loop3A_300] {strides = array<i32>} : memref<288x256xf32, #tpu.memory_space<vmem>>, vector<1x16xf32>,
      %parallel_loop3A_302 = vector.shape_cast %parallel_loop3A_301 : vector<1x16xf32> to vector<16xf32>
      %parallel_loop3A_303 = arith.mulf %parallel_loop3A_302, %parallel_loop3A_168 : vector<16xf32>
      %parallel_loop3A_304 = arith.index_cast %parallel_loop3A_164 : i32 to index
      %parallel_loop3A_305 = arith.constant 208 : index
      %parallel_loop3A_306 = tpu.vector_load %arg8[%parallel_loop3A_304, %parallel_loop3A_305] {strides = array<i32>} : memref<288x256xf32, #tpu.memory_space<vmem>>, vector<1x16xf32>,
      %parallel_loop3A_307 = vector.shape_cast %parallel_loop3A_306 : vector<1x16xf32> to vector<16xf32>
      %parallel_loop3A_308 = vector.shape_cast %parallel_loop3A_303 : vector<16xf32> to vector<1x16xf32>
      tpu.vector_store %arg8[%parallel_loop3A_304, %parallel_loop3A_305], %parallel_loop3A_308 {strides = array<i32>} : memref<288x256xf32, #tpu.memory_space<vmem>>, vector<1x16xf32>,
      %parallel_loop3A_309 = arith.index_cast %parallel_loop3A_164 : i32 to index
      %parallel_loop3A_310 = arith.constant 224 : index
      %parallel_loop3A_311 = tpu.vector_load %arg8[%parallel_loop3A_309, %parallel_loop3A_310] {strides = array<i32>} : memref<288x256xf32, #tpu.memory_space<vmem>>, vector<1x16xf32>,
      %parallel_loop3A_312 = vector.shape_cast %parallel_loop3A_311 : vector<1x16xf32> to vector<16xf32>
      %parallel_loop3A_313 = arith.mulf %parallel_loop3A_312, %parallel_loop3A_168 : vector<16xf32>
      %parallel_loop3A_314 = arith.index_cast %parallel_loop3A_164 : i32 to index
      %parallel_loop3A_315 = arith.constant 224 : index
      %parallel_loop3A_316 = tpu.vector_load %arg8[%parallel_loop3A_314, %parallel_loop3A_315] {strides = array<i32>} : memref<288x256xf32, #tpu.memory_space<vmem>>, vector<1x16xf32>,
      %parallel_loop3A_317 = vector.shape_cast %parallel_loop3A_316 : vector<1x16xf32> to vector<16xf32>
      %parallel_loop3A_318 = vector.shape_cast %parallel_loop3A_313 : vector<16xf32> to vector<1x16xf32>
      tpu.vector_store %arg8[%parallel_loop3A_314, %parallel_loop3A_315], %parallel_loop3A_318 {strides = array<i32>} : memref<288x256xf32, #tpu.memory_space<vmem>>, vector<1x16xf32>,
      %parallel_loop3A_319 = arith.index_cast %parallel_loop3A_164 : i32 to index
      %parallel_loop3A_320 = arith.constant 240 : index
      %parallel_loop3A_321 = tpu.vector_load %arg8[%parallel_loop3A_319, %parallel_loop3A_320] {strides = array<i32>} : memref<288x256xf32, #tpu.memory_space<vmem>>, vector<1x16xf32>,
      %parallel_loop3A_322 = vector.shape_cast %parallel_loop3A_321 : vector<1x16xf32> to vector<16xf32>
      %parallel_loop3A_323 = arith.mulf %parallel_loop3A_322, %parallel_loop3A_168 : vector<16xf32>
      %parallel_loop3A_324 = arith.index_cast %parallel_loop3A_164 : i32 to index
      %parallel_loop3A_325 = arith.constant 240 : index
      %parallel_loop3A_326 = tpu.vector_load %arg8[%parallel_loop3A_324, %parallel_loop3A_325] {strides = array<i32>} : memref<288x256xf32, #tpu.memory_space<vmem>>, vector<1x16xf32>,
      %parallel_loop3A_327 = vector.shape_cast %parallel_loop3A_326 : vector<1x16xf32> to vector<16xf32>
      %parallel_loop3A_328 = vector.shape_cast %parallel_loop3A_323 : vector<16xf32> to vector<1x16xf32>
      tpu.vector_store %arg8[%parallel_loop3A_324, %parallel_loop3A_325], %parallel_loop3A_328 {strides = array<i32>} : memref<288x256xf32, #tpu.memory_space<vmem>>, vector<1x16xf32>,
    } {sc.loop_unroll_factor = 2 : i64, sc.parallel_access}
    %add3A_89 = arith.constant 144 : i32
    %add3A_90 = arith.addi %mul3A_2, %add3A_89 : i32
    %dma_start3A_91 = arith.constant 144 : i32
    %dma_start3A_92 = arith.constant 0 : i32
    %dma_start3A_93 = tpu.memref_slice %arg8[%dma_start3A_91, %dma_start3A_92] : memref<288x256xf32, #tpu.memory_space<vmem>> -> memref<72x256xf32, #tpu.memory_space<vmem>>
    %dma_start3A_94 = arith.constant 0 : i32
    %dma_start3A_95 = tpu.memref_slice %arg5[%add3A_90, %dma_start3A_94] : memref<9216x256xf32, #tpu.memory_space<hbm>> -> memref<72x256xf32, #tpu.memory_space<hbm>>
    %dma_start3A_96 = arith.constant 0 : i32
    %dma_start3A_97 = tpu.memref_slice %arg5[%add3A_90, %dma_start3A_96] : memref<9216x256xf32, #tpu.memory_space<hbm>> -> memref<72x256xf32, #tpu.memory_space<hbm>>
    %dma_start3A_98 = arith.constant 144 : i32
    %dma_start3A_99 = arith.constant 0 : i32
    %dma_start3A_100 = tpu.memref_slice %arg8[%dma_start3A_98, %dma_start3A_99] : memref<288x256xf32, #tpu.memory_space<vmem>> -> memref<72x256xf32, #tpu.memory_space<vmem>>
    tpu.enqueue_dma source(%dma_start3A_100 : memref<72x256xf32, #tpu.memory_space<vmem>>) target(%dma_start3A_97 : memref<72x256xf32, #tpu.memory_space<hbm>>) target_semaphore(%arg13 : memref<!tpu.dma_semaphore, #tpu.memory_space<semaphore_mem>>)
    %dma_wait3A_101 = arith.constant 216 : i32
    %dma_wait3A_102 = arith.constant 0 : i32
    %dma_wait3A_103 = tpu.memref_slice %arg8[%dma_wait3A_101, %dma_wait3A_102] : memref<288x256xf32, #tpu.memory_space<vmem>> -> memref<72x256xf32, #tpu.memory_space<vmem>>
    %dma_wait3A_104 = arith.constant 216 : i32
    %dma_wait3A_105 = tpu.memref_slice %arg6[%dma_wait3A_104] : memref<288xi32, #tpu.memory_space<vmem>> -> memref<72xi32, #tpu.memory_space<vmem>>
    %dma_wait3A_106 = arith.constant 0 : i32
    %dma_wait3A_107 = arith.constant 0 : i32
    %dma_wait3A_108 = tpu.memref_slice %arg2[%dma_wait3A_106, %dma_wait3A_107] : memref<1024x256xf32, #tpu.memory_space<hbm>> -> memref<1024x256xf32, #tpu.memory_space<hbm>>
    tpu.wait_indirect_dma semaphore(%arg12 : memref<!tpu.dma_semaphore, #tpu.memory_space<semaphore_mem>>) src(%dma_wait3A_108 : memref<1024x256xf32, #tpu.memory_space<hbm>>) dst(%dma_wait3A_103 : memref<72x256xf32, #tpu.memory_space<vmem>>)
    %parallel_loop3A_109 = arith.constant 216 : i32
    %parallel_loop3A_110 = arith.constant 288 : i32
    %parallel_loop3A_111 = arith.constant 1 : i32
    scf.for %parallel_loop3A_164 = %parallel_loop3A_109 to %parallel_loop3A_110 step %parallel_loop3A_111  : i32 {
      %parallel_loop3A_165 = arith.index_cast %parallel_loop3A_164 : i32 to index
      %parallel_loop3A_166 = arith.constant 0 : index
      %parallel_loop3A_167 = tpu.vector_load %arg7[%parallel_loop3A_165, %parallel_loop3A_166] {strides = array<i32>} : memref<288x16xf32, #tpu.memory_space<vmem>>, vector<1x16xf32>,
      %parallel_loop3A_168 = vector.shape_cast %parallel_loop3A_167 : vector<1x16xf32> to vector<16xf32>
      %parallel_loop3A_169 = arith.index_cast %parallel_loop3A_164 : i32 to index
      %parallel_loop3A_170 = arith.constant 0 : index
      %parallel_loop3A_171 = tpu.vector_load %arg8[%parallel_loop3A_169, %parallel_loop3A_170] {strides = array<i32>} : memref<288x256xf32, #tpu.memory_space<vmem>>, vector<1x16xf32>,
      %parallel_loop3A_172 = vector.shape_cast %parallel_loop3A_171 : vector<1x16xf32> to vector<16xf32>
      %parallel_loop3A_173 = arith.mulf %parallel_loop3A_172, %parallel_loop3A_168 : vector<16xf32>
      %parallel_loop3A_174 = arith.index_cast %parallel_loop3A_164 : i32 to index
      %parallel_loop3A_175 = arith.constant 0 : index
      %parallel_loop3A_176 = tpu.vector_load %arg8[%parallel_loop3A_174, %parallel_loop3A_175] {strides = array<i32>} : memref<288x256xf32, #tpu.memory_space<vmem>>, vector<1x16xf32>,
      %parallel_loop3A_177 = vector.shape_cast %parallel_loop3A_176 : vector<1x16xf32> to vector<16xf32>
      %parallel_loop3A_178 = vector.shape_cast %parallel_loop3A_173 : vector<16xf32> to vector<1x16xf32>
      tpu.vector_store %arg8[%parallel_loop3A_174, %parallel_loop3A_175], %parallel_loop3A_178 {strides = array<i32>} : memref<288x256xf32, #tpu.memory_space<vmem>>, vector<1x16xf32>,
      %parallel_loop3A_179 = arith.index_cast %parallel_loop3A_164 : i32 to index
      %parallel_loop3A_180 = arith.constant 16 : index
      %parallel_loop3A_181 = tpu.vector_load %arg8[%parallel_loop3A_179, %parallel_loop3A_180] {strides = array<i32>} : memref<288x256xf32, #tpu.memory_space<vmem>>, vector<1x16xf32>,
      %parallel_loop3A_182 = vector.shape_cast %parallel_loop3A_181 : vector<1x16xf32> to vector<16xf32>
      %parallel_loop3A_183 = arith.mulf %parallel_loop3A_182, %parallel_loop3A_168 : vector<16xf32>
      %parallel_loop3A_184 = arith.index_cast %parallel_loop3A_164 : i32 to index
      %parallel_loop3A_185 = arith.constant 16 : index
      %parallel_loop3A_186 = tpu.vector_load %arg8[%parallel_loop3A_184, %parallel_loop3A_185] {strides = array<i32>} : memref<288x256xf32, #tpu.memory_space<vmem>>, vector<1x16xf32>,
      %parallel_loop3A_187 = vector.shape_cast %parallel_loop3A_186 : vector<1x16xf32> to vector<16xf32>
      %parallel_loop3A_188 = vector.shape_cast %parallel_loop3A_183 : vector<16xf32> to vector<1x16xf32>
      tpu.vector_store %arg8[%parallel_loop3A_184, %parallel_loop3A_185], %parallel_loop3A_188 {strides = array<i32>} : memref<288x256xf32, #tpu.memory_space<vmem>>, vector<1x16xf32>,
      %parallel_loop3A_189 = arith.index_cast %parallel_loop3A_164 : i32 to index
      %parallel_loop3A_190 = arith.constant 32 : index
      %parallel_loop3A_191 = tpu.vector_load %arg8[%parallel_loop3A_189, %parallel_loop3A_190] {strides = array<i32>} : memref<288x256xf32, #tpu.memory_space<vmem>>, vector<1x16xf32>,
      %parallel_loop3A_192 = vector.shape_cast %parallel_loop3A_191 : vector<1x16xf32> to vector<16xf32>
      %parallel_loop3A_193 = arith.mulf %parallel_loop3A_192, %parallel_loop3A_168 : vector<16xf32>
      %parallel_loop3A_194 = arith.index_cast %parallel_loop3A_164 : i32 to index
      %parallel_loop3A_195 = arith.constant 32 : index
      %parallel_loop3A_196 = tpu.vector_load %arg8[%parallel_loop3A_194, %parallel_loop3A_195] {strides = array<i32>} : memref<288x256xf32, #tpu.memory_space<vmem>>, vector<1x16xf32>,
      %parallel_loop3A_197 = vector.shape_cast %parallel_loop3A_196 : vector<1x16xf32> to vector<16xf32>
      %parallel_loop3A_198 = vector.shape_cast %parallel_loop3A_193 : vector<16xf32> to vector<1x16xf32>
      tpu.vector_store %arg8[%parallel_loop3A_194, %parallel_loop3A_195], %parallel_loop3A_198 {strides = array<i32>} : memref<288x256xf32, #tpu.memory_space<vmem>>, vector<1x16xf32>,
      %parallel_loop3A_199 = arith.index_cast %parallel_loop3A_164 : i32 to index
      %parallel_loop3A_200 = arith.constant 48 : index
      %parallel_loop3A_201 = tpu.vector_load %arg8[%parallel_loop3A_199, %parallel_loop3A_200] {strides = array<i32>} : memref<288x256xf32, #tpu.memory_space<vmem>>, vector<1x16xf32>,
      %parallel_loop3A_202 = vector.shape_cast %parallel_loop3A_201 : vector<1x16xf32> to vector<16xf32>
      %parallel_loop3A_203 = arith.mulf %parallel_loop3A_202, %parallel_loop3A_168 : vector<16xf32>
      %parallel_loop3A_204 = arith.index_cast %parallel_loop3A_164 : i32 to index
      %parallel_loop3A_205 = arith.constant 48 : index
      %parallel_loop3A_206 = tpu.vector_load %arg8[%parallel_loop3A_204, %parallel_loop3A_205] {strides = array<i32>} : memref<288x256xf32, #tpu.memory_space<vmem>>, vector<1x16xf32>,
      %parallel_loop3A_207 = vector.shape_cast %parallel_loop3A_206 : vector<1x16xf32> to vector<16xf32>
      %parallel_loop3A_208 = vector.shape_cast %parallel_loop3A_203 : vector<16xf32> to vector<1x16xf32>
      tpu.vector_store %arg8[%parallel_loop3A_204, %parallel_loop3A_205], %parallel_loop3A_208 {strides = array<i32>} : memref<288x256xf32, #tpu.memory_space<vmem>>, vector<1x16xf32>,
      %parallel_loop3A_209 = arith.index_cast %parallel_loop3A_164 : i32 to index
      %parallel_loop3A_210 = arith.constant 64 : index
      %parallel_loop3A_211 = tpu.vector_load %arg8[%parallel_loop3A_209, %parallel_loop3A_210] {strides = array<i32>} : memref<288x256xf32, #tpu.memory_space<vmem>>, vector<1x16xf32>,
      %parallel_loop3A_212 = vector.shape_cast %parallel_loop3A_211 : vector<1x16xf32> to vector<16xf32>
      %parallel_loop3A_213 = arith.mulf %parallel_loop3A_212, %parallel_loop3A_168 : vector<16xf32>
      %parallel_loop3A_214 = arith.index_cast %parallel_loop3A_164 : i32 to index
      %parallel_loop3A_215 = arith.constant 64 : index
      %parallel_loop3A_216 = tpu.vector_load %arg8[%parallel_loop3A_214, %parallel_loop3A_215] {strides = array<i32>} : memref<288x256xf32, #tpu.memory_space<vmem>>, vector<1x16xf32>,
      %parallel_loop3A_217 = vector.shape_cast %parallel_loop3A_216 : vector<1x16xf32> to vector<16xf32>
      %parallel_loop3A_218 = vector.shape_cast %parallel_loop3A_213 : vector<16xf32> to vector<1x16xf32>
      tpu.vector_store %arg8[%parallel_loop3A_214, %parallel_loop3A_215], %parallel_loop3A_218 {strides = array<i32>} : memref<288x256xf32, #tpu.memory_space<vmem>>, vector<1x16xf32>,
      %parallel_loop3A_219 = arith.index_cast %parallel_loop3A_164 : i32 to index
      %parallel_loop3A_220 = arith.constant 80 : index
      %parallel_loop3A_221 = tpu.vector_load %arg8[%parallel_loop3A_219, %parallel_loop3A_220] {strides = array<i32>} : memref<288x256xf32, #tpu.memory_space<vmem>>, vector<1x16xf32>,
      %parallel_loop3A_222 = vector.shape_cast %parallel_loop3A_221 : vector<1x16xf32> to vector<16xf32>
      %parallel_loop3A_223 = arith.mulf %parallel_loop3A_222, %parallel_loop3A_168 : vector<16xf32>
      %parallel_loop3A_224 = arith.index_cast %parallel_loop3A_164 : i32 to index
      %parallel_loop3A_225 = arith.constant 80 : index
      %parallel_loop3A_226 = tpu.vector_load %arg8[%parallel_loop3A_224, %parallel_loop3A_225] {strides = array<i32>} : memref<288x256xf32, #tpu.memory_space<vmem>>, vector<1x16xf32>,
      %parallel_loop3A_227 = vector.shape_cast %parallel_loop3A_226 : vector<1x16xf32> to vector<16xf32>
      %parallel_loop3A_228 = vector.shape_cast %parallel_loop3A_223 : vector<16xf32> to vector<1x16xf32>
      tpu.vector_store %arg8[%parallel_loop3A_224, %parallel_loop3A_225], %parallel_loop3A_228 {strides = array<i32>} : memref<288x256xf32, #tpu.memory_space<vmem>>, vector<1x16xf32>,
      %parallel_loop3A_229 = arith.index_cast %parallel_loop3A_164 : i32 to index
      %parallel_loop3A_230 = arith.constant 96 : index
      %parallel_loop3A_231 = tpu.vector_load %arg8[%parallel_loop3A_229, %parallel_loop3A_230] {strides = array<i32>} : memref<288x256xf32, #tpu.memory_space<vmem>>, vector<1x16xf32>,
      %parallel_loop3A_232 = vector.shape_cast %parallel_loop3A_231 : vector<1x16xf32> to vector<16xf32>
      %parallel_loop3A_233 = arith.mulf %parallel_loop3A_232, %parallel_loop3A_168 : vector<16xf32>
      %parallel_loop3A_234 = arith.index_cast %parallel_loop3A_164 : i32 to index
      %parallel_loop3A_235 = arith.constant 96 : index
      %parallel_loop3A_236 = tpu.vector_load %arg8[%parallel_loop3A_234, %parallel_loop3A_235] {strides = array<i32>} : memref<288x256xf32, #tpu.memory_space<vmem>>, vector<1x16xf32>,
      %parallel_loop3A_237 = vector.shape_cast %parallel_loop3A_236 : vector<1x16xf32> to vector<16xf32>
      %parallel_loop3A_238 = vector.shape_cast %parallel_loop3A_233 : vector<16xf32> to vector<1x16xf32>
      tpu.vector_store %arg8[%parallel_loop3A_234, %parallel_loop3A_235], %parallel_loop3A_238 {strides = array<i32>} : memref<288x256xf32, #tpu.memory_space<vmem>>, vector<1x16xf32>,
      %parallel_loop3A_239 = arith.index_cast %parallel_loop3A_164 : i32 to index
      %parallel_loop3A_240 = arith.constant 112 : index
      %parallel_loop3A_241 = tpu.vector_load %arg8[%parallel_loop3A_239, %parallel_loop3A_240] {strides = array<i32>} : memref<288x256xf32, #tpu.memory_space<vmem>>, vector<1x16xf32>,
      %parallel_loop3A_242 = vector.shape_cast %parallel_loop3A_241 : vector<1x16xf32> to vector<16xf32>
      %parallel_loop3A_243 = arith.mulf %parallel_loop3A_242, %parallel_loop3A_168 : vector<16xf32>
      %parallel_loop3A_244 = arith.index_cast %parallel_loop3A_164 : i32 to index
      %parallel_loop3A_245 = arith.constant 112 : index
      %parallel_loop3A_246 = tpu.vector_load %arg8[%parallel_loop3A_244, %parallel_loop3A_245] {strides = array<i32>} : memref<288x256xf32, #tpu.memory_space<vmem>>, vector<1x16xf32>,
      %parallel_loop3A_247 = vector.shape_cast %parallel_loop3A_246 : vector<1x16xf32> to vector<16xf32>
      %parallel_loop3A_248 = vector.shape_cast %parallel_loop3A_243 : vector<16xf32> to vector<1x16xf32>
      tpu.vector_store %arg8[%parallel_loop3A_244, %parallel_loop3A_245], %parallel_loop3A_248 {strides = array<i32>} : memref<288x256xf32, #tpu.memory_space<vmem>>, vector<1x16xf32>,
      %parallel_loop3A_249 = arith.index_cast %parallel_loop3A_164 : i32 to index
      %parallel_loop3A_250 = arith.constant 128 : index
      %parallel_loop3A_251 = tpu.vector_load %arg8[%parallel_loop3A_249, %parallel_loop3A_250] {strides = array<i32>} : memref<288x256xf32, #tpu.memory_space<vmem>>, vector<1x16xf32>,
      %parallel_loop3A_252 = vector.shape_cast %parallel_loop3A_251 : vector<1x16xf32> to vector<16xf32>
      %parallel_loop3A_253 = arith.mulf %parallel_loop3A_252, %parallel_loop3A_168 : vector<16xf32>
      %parallel_loop3A_254 = arith.index_cast %parallel_loop3A_164 : i32 to index
      %parallel_loop3A_255 = arith.constant 128 : index
      %parallel_loop3A_256 = tpu.vector_load %arg8[%parallel_loop3A_254, %parallel_loop3A_255] {strides = array<i32>} : memref<288x256xf32, #tpu.memory_space<vmem>>, vector<1x16xf32>,
      %parallel_loop3A_257 = vector.shape_cast %parallel_loop3A_256 : vector<1x16xf32> to vector<16xf32>
      %parallel_loop3A_258 = vector.shape_cast %parallel_loop3A_253 : vector<16xf32> to vector<1x16xf32>
      tpu.vector_store %arg8[%parallel_loop3A_254, %parallel_loop3A_255], %parallel_loop3A_258 {strides = array<i32>} : memref<288x256xf32, #tpu.memory_space<vmem>>, vector<1x16xf32>,
      %parallel_loop3A_259 = arith.index_cast %parallel_loop3A_164 : i32 to index
      %parallel_loop3A_260 = arith.constant 144 : index
      %parallel_loop3A_261 = tpu.vector_load %arg8[%parallel_loop3A_259, %parallel_loop3A_260] {strides = array<i32>} : memref<288x256xf32, #tpu.memory_space<vmem>>, vector<1x16xf32>,
      %parallel_loop3A_262 = vector.shape_cast %parallel_loop3A_261 : vector<1x16xf32> to vector<16xf32>
      %parallel_loop3A_263 = arith.mulf %parallel_loop3A_262, %parallel_loop3A_168 : vector<16xf32>
      %parallel_loop3A_264 = arith.index_cast %parallel_loop3A_164 : i32 to index
      %parallel_loop3A_265 = arith.constant 144 : index
      %parallel_loop3A_266 = tpu.vector_load %arg8[%parallel_loop3A_264, %parallel_loop3A_265] {strides = array<i32>} : memref<288x256xf32, #tpu.memory_space<vmem>>, vector<1x16xf32>,
      %parallel_loop3A_267 = vector.shape_cast %parallel_loop3A_266 : vector<1x16xf32> to vector<16xf32>
      %parallel_loop3A_268 = vector.shape_cast %parallel_loop3A_263 : vector<16xf32> to vector<1x16xf32>
      tpu.vector_store %arg8[%parallel_loop3A_264, %parallel_loop3A_265], %parallel_loop3A_268 {strides = array<i32>} : memref<288x256xf32, #tpu.memory_space<vmem>>, vector<1x16xf32>,
      %parallel_loop3A_269 = arith.index_cast %parallel_loop3A_164 : i32 to index
      %parallel_loop3A_270 = arith.constant 160 : index
      %parallel_loop3A_271 = tpu.vector_load %arg8[%parallel_loop3A_269, %parallel_loop3A_270] {strides = array<i32>} : memref<288x256xf32, #tpu.memory_space<vmem>>, vector<1x16xf32>,
      %parallel_loop3A_272 = vector.shape_cast %parallel_loop3A_271 : vector<1x16xf32> to vector<16xf32>
      %parallel_loop3A_273 = arith.mulf %parallel_loop3A_272, %parallel_loop3A_168 : vector<16xf32>
      %parallel_loop3A_274 = arith.index_cast %parallel_loop3A_164 : i32 to index
      %parallel_loop3A_275 = arith.constant 160 : index
      %parallel_loop3A_276 = tpu.vector_load %arg8[%parallel_loop3A_274, %parallel_loop3A_275] {strides = array<i32>} : memref<288x256xf32, #tpu.memory_space<vmem>>, vector<1x16xf32>,
      %parallel_loop3A_277 = vector.shape_cast %parallel_loop3A_276 : vector<1x16xf32> to vector<16xf32>
      %parallel_loop3A_278 = vector.shape_cast %parallel_loop3A_273 : vector<16xf32> to vector<1x16xf32>
      tpu.vector_store %arg8[%parallel_loop3A_274, %parallel_loop3A_275], %parallel_loop3A_278 {strides = array<i32>} : memref<288x256xf32, #tpu.memory_space<vmem>>, vector<1x16xf32>,
      %parallel_loop3A_279 = arith.index_cast %parallel_loop3A_164 : i32 to index
      %parallel_loop3A_280 = arith.constant 176 : index
      %parallel_loop3A_281 = tpu.vector_load %arg8[%parallel_loop3A_279, %parallel_loop3A_280] {strides = array<i32>} : memref<288x256xf32, #tpu.memory_space<vmem>>, vector<1x16xf32>,
      %parallel_loop3A_282 = vector.shape_cast %parallel_loop3A_281 : vector<1x16xf32> to vector<16xf32>
      %parallel_loop3A_283 = arith.mulf %parallel_loop3A_282, %parallel_loop3A_168 : vector<16xf32>
      %parallel_loop3A_284 = arith.index_cast %parallel_loop3A_164 : i32 to index
      %parallel_loop3A_285 = arith.constant 176 : index
      %parallel_loop3A_286 = tpu.vector_load %arg8[%parallel_loop3A_284, %parallel_loop3A_285] {strides = array<i32>} : memref<288x256xf32, #tpu.memory_space<vmem>>, vector<1x16xf32>,
      %parallel_loop3A_287 = vector.shape_cast %parallel_loop3A_286 : vector<1x16xf32> to vector<16xf32>
      %parallel_loop3A_288 = vector.shape_cast %parallel_loop3A_283 : vector<16xf32> to vector<1x16xf32>
      tpu.vector_store %arg8[%parallel_loop3A_284, %parallel_loop3A_285], %parallel_loop3A_288 {strides = array<i32>} : memref<288x256xf32, #tpu.memory_space<vmem>>, vector<1x16xf32>,
      %parallel_loop3A_289 = arith.index_cast %parallel_loop3A_164 : i32 to index
      %parallel_loop3A_290 = arith.constant 192 : index
      %parallel_loop3A_291 = tpu.vector_load %arg8[%parallel_loop3A_289, %parallel_loop3A_290] {strides = array<i32>} : memref<288x256xf32, #tpu.memory_space<vmem>>, vector<1x16xf32>,
      %parallel_loop3A_292 = vector.shape_cast %parallel_loop3A_291 : vector<1x16xf32> to vector<16xf32>
      %parallel_loop3A_293 = arith.mulf %parallel_loop3A_292, %parallel_loop3A_168 : vector<16xf32>
      %parallel_loop3A_294 = arith.index_cast %parallel_loop3A_164 : i32 to index
      %parallel_loop3A_295 = arith.constant 192 : index
      %parallel_loop3A_296 = tpu.vector_load %arg8[%parallel_loop3A_294, %parallel_loop3A_295] {strides = array<i32>} : memref<288x256xf32, #tpu.memory_space<vmem>>, vector<1x16xf32>,
      %parallel_loop3A_297 = vector.shape_cast %parallel_loop3A_296 : vector<1x16xf32> to vector<16xf32>
      %parallel_loop3A_298 = vector.shape_cast %parallel_loop3A_293 : vector<16xf32> to vector<1x16xf32>
      tpu.vector_store %arg8[%parallel_loop3A_294, %parallel_loop3A_295], %parallel_loop3A_298 {strides = array<i32>} : memref<288x256xf32, #tpu.memory_space<vmem>>, vector<1x16xf32>,
      %parallel_loop3A_299 = arith.index_cast %parallel_loop3A_164 : i32 to index
      %parallel_loop3A_300 = arith.constant 208 : index
      %parallel_loop3A_301 = tpu.vector_load %arg8[%parallel_loop3A_299, %parallel_loop3A_300] {strides = array<i32>} : memref<288x256xf32, #tpu.memory_space<vmem>>, vector<1x16xf32>,
      %parallel_loop3A_302 = vector.shape_cast %parallel_loop3A_301 : vector<1x16xf32> to vector<16xf32>
      %parallel_loop3A_303 = arith.mulf %parallel_loop3A_302, %parallel_loop3A_168 : vector<16xf32>
      %parallel_loop3A_304 = arith.index_cast %parallel_loop3A_164 : i32 to index
      %parallel_loop3A_305 = arith.constant 208 : index
      %parallel_loop3A_306 = tpu.vector_load %arg8[%parallel_loop3A_304, %parallel_loop3A_305] {strides = array<i32>} : memref<288x256xf32, #tpu.memory_space<vmem>>, vector<1x16xf32>,
      %parallel_loop3A_307 = vector.shape_cast %parallel_loop3A_306 : vector<1x16xf32> to vector<16xf32>
      %parallel_loop3A_308 = vector.shape_cast %parallel_loop3A_303 : vector<16xf32> to vector<1x16xf32>
      tpu.vector_store %arg8[%parallel_loop3A_304, %parallel_loop3A_305], %parallel_loop3A_308 {strides = array<i32>} : memref<288x256xf32, #tpu.memory_space<vmem>>, vector<1x16xf32>,
      %parallel_loop3A_309 = arith.index_cast %parallel_loop3A_164 : i32 to index
      %parallel_loop3A_310 = arith.constant 224 : index
      %parallel_loop3A_311 = tpu.vector_load %arg8[%parallel_loop3A_309, %parallel_loop3A_310] {strides = array<i32>} : memref<288x256xf32, #tpu.memory_space<vmem>>, vector<1x16xf32>,
      %parallel_loop3A_312 = vector.shape_cast %parallel_loop3A_311 : vector<1x16xf32> to vector<16xf32>
      %parallel_loop3A_313 = arith.mulf %parallel_loop3A_312, %parallel_loop3A_168 : vector<16xf32>
      %parallel_loop3A_314 = arith.index_cast %parallel_loop3A_164 : i32 to index
      %parallel_loop3A_315 = arith.constant 224 : index
      %parallel_loop3A_316 = tpu.vector_load %arg8[%parallel_loop3A_314, %parallel_loop3A_315] {strides = array<i32>} : memref<288x256xf32, #tpu.memory_space<vmem>>, vector<1x16xf32>,
      %parallel_loop3A_317 = vector.shape_cast %parallel_loop3A_316 : vector<1x16xf32> to vector<16xf32>
      %parallel_loop3A_318 = vector.shape_cast %parallel_loop3A_313 : vector<16xf32> to vector<1x16xf32>
      tpu.vector_store %arg8[%parallel_loop3A_314, %parallel_loop3A_315], %parallel_loop3A_318 {strides = array<i32>} : memref<288x256xf32, #tpu.memory_space<vmem>>, vector<1x16xf32>,
      %parallel_loop3A_319 = arith.index_cast %parallel_loop3A_164 : i32 to index
      %parallel_loop3A_320 = arith.constant 240 : index
      %parallel_loop3A_321 = tpu.vector_load %arg8[%parallel_loop3A_319, %parallel_loop3A_320] {strides = array<i32>} : memref<288x256xf32, #tpu.memory_space<vmem>>, vector<1x16xf32>,
      %parallel_loop3A_322 = vector.shape_cast %parallel_loop3A_321 : vector<1x16xf32> to vector<16xf32>
      %parallel_loop3A_323 = arith.mulf %parallel_loop3A_322, %parallel_loop3A_168 : vector<16xf32>
      %parallel_loop3A_324 = arith.index_cast %parallel_loop3A_164 : i32 to index
      %parallel_loop3A_325 = arith.constant 240 : index
      %parallel_loop3A_326 = tpu.vector_load %arg8[%parallel_loop3A_324, %parallel_loop3A_325] {strides = array<i32>} : memref<288x256xf32, #tpu.memory_space<vmem>>, vector<1x16xf32>,
      %parallel_loop3A_327 = vector.shape_cast %parallel_loop3A_326 : vector<1x16xf32> to vector<16xf32>
      %parallel_loop3A_328 = vector.shape_cast %parallel_loop3A_323 : vector<16xf32> to vector<1x16xf32>
      tpu.vector_store %arg8[%parallel_loop3A_324, %parallel_loop3A_325], %parallel_loop3A_328 {strides = array<i32>} : memref<288x256xf32, #tpu.memory_space<vmem>>, vector<1x16xf32>,
    } {sc.loop_unroll_factor = 2 : i64, sc.parallel_access}
    %add3A_112 = arith.constant 216 : i32
    %add3A_113 = arith.addi %mul3A_2, %add3A_112 : i32
    %dma_start3A_114 = arith.constant 216 : i32
    %dma_start3A_115 = arith.constant 0 : i32
    %dma_start3A_116 = tpu.memref_slice %arg8[%dma_start3A_114, %dma_start3A_115] : memref<288x256xf32, #tpu.memory_space<vmem>> -> memref<72x256xf32, #tpu.memory_space<vmem>>
    %dma_start3A_117 = arith.constant 0 : i32
    %dma_start3A_118 = tpu.memref_slice %arg5[%add3A_113, %dma_start3A_117] : memref<9216x256xf32, #tpu.memory_space<hbm>> -> memref<72x256xf32, #tpu.memory_space<hbm>>
    %dma_start3A_119 = arith.constant 0 : i32
    %dma_start3A_120 = tpu.memref_slice %arg5[%add3A_113, %dma_start3A_119] : memref<9216x256xf32, #tpu.memory_space<hbm>> -> memref<72x256xf32, #tpu.memory_space<hbm>>
    %dma_start3A_121 = arith.constant 216 : i32
    %dma_start3A_122 = arith.constant 0 : i32
    %dma_start3A_123 = tpu.memref_slice %arg8[%dma_start3A_121, %dma_start3A_122] : memref<288x256xf32, #tpu.memory_space<vmem>> -> memref<72x256xf32, #tpu.memory_space<vmem>>
    tpu.enqueue_dma source(%dma_start3A_123 : memref<72x256xf32, #tpu.memory_space<vmem>>) target(%dma_start3A_120 : memref<72x256xf32, #tpu.memory_space<hbm>>) target_semaphore(%arg13 : memref<!tpu.dma_semaphore, #tpu.memory_space<semaphore_mem>>)
    %dma_wait3A_124 = arith.constant 0 : i32
    %dma_wait3A_125 = arith.constant 0 : i32
    %dma_wait3A_126 = tpu.memref_slice %arg8[%dma_wait3A_124, %dma_wait3A_125] : memref<288x256xf32, #tpu.memory_space<vmem>> -> memref<72x256xf32, #tpu.memory_space<vmem>>
    %dma_wait3A_127 = arith.constant 0 : i32
    %dma_wait3A_128 = tpu.memref_slice %arg5[%add3A_44, %dma_wait3A_127] : memref<9216x256xf32, #tpu.memory_space<hbm>> -> memref<72x256xf32, #tpu.memory_space<hbm>>
    %dma_wait3A_129 = arith.constant 0 : i32
    %dma_wait3A_130 = tpu.memref_slice %arg5[%add3A_44, %dma_wait3A_129] : memref<9216x256xf32, #tpu.memory_space<hbm>> -> memref<72x256xf32, #tpu.memory_space<hbm>>
    %dma_wait3A_131 = arith.constant 0 : i32
    %dma_wait3A_132 = arith.constant 0 : i32
    %dma_wait3A_133 = tpu.memref_slice %arg8[%dma_wait3A_131, %dma_wait3A_132] : memref<288x256xf32, #tpu.memory_space<vmem>> -> memref<72x256xf32, #tpu.memory_space<vmem>>
    tpu.wait_dma2 semaphore(%arg13 : memref<!tpu.dma_semaphore, #tpu.memory_space<semaphore_mem>>) src(%dma_wait3A_133 : memref<72x256xf32, #tpu.memory_space<vmem>>) dst(%dma_wait3A_130 : memref<72x256xf32, #tpu.memory_space<hbm>>)
    %dma_wait3A_134 = arith.constant 72 : i32
    %dma_wait3A_135 = arith.constant 0 : i32
    %dma_wait3A_136 = tpu.memref_slice %arg8[%dma_wait3A_134, %dma_wait3A_135] : memref<288x256xf32, #tpu.memory_space<vmem>> -> memref<72x256xf32, #tpu.memory_space<vmem>>
    %dma_wait3A_137 = arith.constant 0 : i32
    %dma_wait3A_138 = tpu.memref_slice %arg5[%add3A_67, %dma_wait3A_137] : memref<9216x256xf32, #tpu.memory_space<hbm>> -> memref<72x256xf32, #tpu.memory_space<hbm>>
    %dma_wait3A_139 = arith.constant 0 : i32
    %dma_wait3A_140 = tpu.memref_slice %arg5[%add3A_67, %dma_wait3A_139] : memref<9216x256xf32, #tpu.memory_space<hbm>> -> memref<72x256xf32, #tpu.memory_space<hbm>>
    %dma_wait3A_141 = arith.constant 72 : i32
    %dma_wait3A_142 = arith.constant 0 : i32
    %dma_wait3A_143 = tpu.memref_slice %arg8[%dma_wait3A_141, %dma_wait3A_142] : memref<288x256xf32, #tpu.memory_space<vmem>> -> memref<72x256xf32, #tpu.memory_space<vmem>>
    tpu.wait_dma2 semaphore(%arg13 : memref<!tpu.dma_semaphore, #tpu.memory_space<semaphore_mem>>) src(%dma_wait3A_143 : memref<72x256xf32, #tpu.memory_space<vmem>>) dst(%dma_wait3A_140 : memref<72x256xf32, #tpu.memory_space<hbm>>)
    %dma_wait3A_144 = arith.constant 144 : i32
    %dma_wait3A_145 = arith.constant 0 : i32
    %dma_wait3A_146 = tpu.memref_slice %arg8[%dma_wait3A_144, %dma_wait3A_145] : memref<288x256xf32, #tpu.memory_space<vmem>> -> memref<72x256xf32, #tpu.memory_space<vmem>>
    %dma_wait3A_147 = arith.constant 0 : i32
    %dma_wait3A_148 = tpu.memref_slice %arg5[%add3A_90, %dma_wait3A_147] : memref<9216x256xf32, #tpu.memory_space<hbm>> -> memref<72x256xf32, #tpu.memory_space<hbm>>
    %dma_wait3A_149 = arith.constant 0 : i32
    %dma_wait3A_150 = tpu.memref_slice %arg5[%add3A_90, %dma_wait3A_149] : memref<9216x256xf32, #tpu.memory_space<hbm>> -> memref<72x256xf32, #tpu.memory_space<hbm>>
    %dma_wait3A_151 = arith.constant 144 : i32
    %dma_wait3A_152 = arith.constant 0 : i32
    %dma_wait3A_153 = tpu.memref_slice %arg8[%dma_wait3A_151, %dma_wait3A_152] : memref<288x256xf32, #tpu.memory_space<vmem>> -> memref<72x256xf32, #tpu.memory_space<vmem>>
    tpu.wait_dma2 semaphore(%arg13 : memref<!tpu.dma_semaphore, #tpu.memory_space<semaphore_mem>>) src(%dma_wait3A_153 : memref<72x256xf32, #tpu.memory_space<vmem>>) dst(%dma_wait3A_150 : memref<72x256xf32, #tpu.memory_space<hbm>>)
    %dma_wait3A_154 = arith.constant 216 : i32
    %dma_wait3A_155 = arith.constant 0 : i32
    %dma_wait3A_156 = tpu.memref_slice %arg8[%dma_wait3A_154, %dma_wait3A_155] : memref<288x256xf32, #tpu.memory_space<vmem>> -> memref<72x256xf32, #tpu.memory_space<vmem>>
    %dma_wait3A_157 = arith.constant 0 : i32
    %dma_wait3A_158 = tpu.memref_slice %arg5[%add3A_113, %dma_wait3A_157] : memref<9216x256xf32, #tpu.memory_space<hbm>> -> memref<72x256xf32, #tpu.memory_space<hbm>>
    %dma_wait3A_159 = arith.constant 0 : i32
    %dma_wait3A_160 = tpu.memref_slice %arg5[%add3A_113, %dma_wait3A_159] : memref<9216x256xf32, #tpu.memory_space<hbm>> -> memref<72x256xf32, #tpu.memory_space<hbm>>
    %dma_wait3A_161 = arith.constant 216 : i32
    %dma_wait3A_162 = arith.constant 0 : i32
    %dma_wait3A_163 = tpu.memref_slice %arg8[%dma_wait3A_161, %dma_wait3A_162] : memref<288x256xf32, #tpu.memory_space<vmem>> -> memref<72x256xf32, #tpu.memory_space<vmem>>
    tpu.wait_dma2 semaphore(%arg13 : memref<!tpu.dma_semaphore, #tpu.memory_space<semaphore_mem>>) src(%dma_wait3A_163 : memref<72x256xf32, #tpu.memory_space<vmem>>) dst(%dma_wait3A_160 : memref<72x256xf32, #tpu.memory_space<hbm>>)
    return
  }
}

module attributes {stable_mosaic.version = 14 : i64} {
  func.func @_tc_body(%arg0: i32, %arg1: memref<3072x256xf32, #tpu.memory_space<vmem>>, %arg2: memref<1024x256xf32, #tpu.memory_space<vmem>>, %arg3: memref<3072xi32, #tpu.memory_space<vmem>>, %arg4: memref<3072x16xf32, #tpu.memory_space<vmem>>) attributes {dimension_semantics = [#tpu.dimension_semantics<arbitrary>], iteration_bounds = array<i64: 3>, scalar_prefetch = 0 : i64, scratch_operands = 0 : i64, tpu.core_type = #tpu.core_type<tc>, window_params = [{transform_indices = @transform_0, window_bounds = array<i64: 3072, 256>}, {pipeline_mode = #tpu.pipeline_mode<synchronous>, transform_indices = @transform_1, window_bounds = array<i64: 1024, 256>}, {transform_indices = @transform_2, window_bounds = array<i64: 3072>}, {transform_indices = @transform_3, window_bounds = array<i64: 3072, 16>}]} {
    %get3A = arith.constant 0 : index
    %get3A_0 = arith.constant 0 : index
    %get3A_1 = vector.load %arg1[%get3A, %get3A_0] : memref<3072x256xf32, #tpu.memory_space<vmem>>, vector<3072x256xf32>
    %broadcast_in_dim3A = arith.constant 0x7F800000 : f32
    %broadcast_in_dim3A_2 = vector.broadcast %broadcast_in_dim3A : f32 to vector<3072xf32>
    %broadcast_in_dim3A_3 = arith.constant 1024 : i32
    %broadcast_in_dim3A_4 = vector.broadcast %broadcast_in_dim3A_3 : i32 to vector<3072xi32>
    %broadcast_in_dim3A_5 = arith.constant 0x7F800000 : f32
    %broadcast_in_dim3A_6 = vector.broadcast %broadcast_in_dim3A_5 : f32 to vector<3072xf32>
    %get3A_7 = arith.constant 0 : index
    %get3A_8 = arith.constant 0 : index
    %get3A_9 = vector.load %arg2[%get3A_7, %get3A_8] : memref<1024x256xf32, #tpu.memory_space<vmem>>, vector<1024x256xf32>
    %mul3A = arith.constant -2.000000e+00 : f32
    %mul3A_10 = vector.broadcast %mul3A : f32 to vector<1024x256xf32>
    %mul3A_11 = arith.mulf %get3A_9, %mul3A_10 : vector<1024x256xf32>
    %dot_general3A = arith.constant dense<0.000000e+00> : vector<1024x3072xf32>
    %dot_general3A_12 = tpu.matmul %mul3A_11, %get3A_1, %dot_general3A {dimension_numbers = #tpu.dot_dimension_numbers<[1], [1], [0], [0], [0, 0, 1, 0], [], []>, transpose_lhs_hint = false} : vector<1024x256xf32>, vector<3072x256xf32>, vector<1024x3072xf32> -> vector<1024x3072xf32>
    %mul3A_13 = arith.mulf %get3A_9, %get3A_9 : vector<1024x256xf32>
    %reduce_sum3A = arith.constant dense<0.000000e+00> : vector<1024xf32>
    %reduce_sum3A_14 = vector.multi_reduction <add>, %mul3A_13, %reduce_sum3A [1] : vector<1024x256xf32> to vector<1024xf32>
    %broadcast_in_dim3A_15 = vector.shape_cast %reduce_sum3A_14 : vector<1024xf32> to vector<1024x1xf32>
    %add3A = vector.broadcast %broadcast_in_dim3A_15 : vector<1024x1xf32> to vector<1024x3072xf32>
    %add3A_16 = arith.addf %dot_general3A_12, %add3A : vector<1024x3072xf32>
    %reduce_min3A = arith.constant dense<0x7F800000> : vector<3072xf32>
    %reduce_min3A_17 = vector.multi_reduction <minimumf>, %add3A_16, %reduce_min3A [0] : vector<1024x3072xf32> to vector<3072xf32>
    %iota3A = tpu.iota {dimensions = array<i32: 0>} : vector<1024x3072xi32>
    %add3A_18 = arith.constant 0 : i32
    %add3A_19 = vector.broadcast %add3A_18 : i32 to vector<1024x3072xi32>
    %add3A_20 = arith.addi %iota3A, %add3A_19 : vector<1024x3072xi32>
    %broadcast_in_dim3A_21 = vector.shape_cast %reduce_min3A_17 : vector<3072xf32> to vector<1x3072xf32>
    %eq3A = vector.broadcast %broadcast_in_dim3A_21 : vector<1x3072xf32> to vector<1024x3072xf32>
    %eq3A_22 = arith.cmpf oeq, %add3A_16, %eq3A : vector<1024x3072xf32>
    %jit3A = arith.constant 1024 : i32
    %broadcast_in_dim3A_23 = vector.broadcast %jit3A : i32 to vector<1024x3072xi32>
    %select_n3A = arith.select %eq3A_22, %add3A_20, %broadcast_in_dim3A_23 : vector<1024x3072xi1>, vector<1024x3072xi32>
    %reduce_min3A_24 = arith.constant dense<2147483647> : vector<3072xi32>
    %reduce_min3A_25 = vector.multi_reduction <minsi>, %select_n3A, %reduce_min3A_24 [0] : vector<1024x3072xi32> to vector<3072xi32>
    %broadcast_in_dim3A_26 = vector.shape_cast %reduce_min3A_25 : vector<3072xi32> to vector<1x3072xi32>
    %eq3A_27 = vector.broadcast %broadcast_in_dim3A_26 : vector<1x3072xi32> to vector<1024x3072xi32>
    %eq3A_28 = arith.cmpi eq, %add3A_20, %eq3A_27 : vector<1024x3072xi32>
    %jit3A_29 = arith.constant 0x7F800000 : f32
    %broadcast_in_dim3A_30 = vector.broadcast %jit3A_29 : f32 to vector<1024x3072xf32>
    %select_n3A_31 = arith.select %eq3A_28, %broadcast_in_dim3A_30, %add3A_16 : vector<1024x3072xi1>, vector<1024x3072xf32>
    %reduce_min3A_32 = arith.constant dense<0x7F800000> : vector<3072xf32>
    %reduce_min3A_33 = vector.multi_reduction <minimumf>, %select_n3A_31, %reduce_min3A_32 [0] : vector<1024x3072xf32> to vector<3072xf32>
    %lt3A = arith.cmpf olt, %reduce_min3A_17, %broadcast_in_dim3A_2 : vector<3072xf32>
    %select_n3A_34 = arith.select %lt3A, %reduce_min3A_25, %broadcast_in_dim3A_4 : vector<3072xi1>, vector<3072xi32>
    %max3A = arith.maximumf %broadcast_in_dim3A_2, %reduce_min3A_17 : vector<3072xf32>
    %min3A = arith.minimumf %broadcast_in_dim3A_6, %reduce_min3A_33 : vector<3072xf32>
    %min3A_35 = arith.minimumf %max3A, %min3A : vector<3072xf32>
    %min3A_36 = arith.minimumf %broadcast_in_dim3A_2, %reduce_min3A_17 : vector<3072xf32>
    %mul3A_37 = arith.mulf %get3A_1, %get3A_1 : vector<3072x256xf32>
    %reduce_sum3A_38 = arith.constant dense<0.000000e+00> : vector<3072xf32>
    %reduce_sum3A_39 = vector.multi_reduction <add>, %mul3A_37, %reduce_sum3A_38 [1] : vector<3072x256xf32> to vector<3072xf32>
    %add3A_40 = arith.addf %min3A_36, %reduce_sum3A_39 : vector<3072xf32>
    %max3A_41 = arith.constant 9.99999996E-13 : f32
    %max3A_42 = vector.broadcast %max3A_41 : f32 to vector<3072xf32>
    %max3A_43 = arith.maximumf %add3A_40, %max3A_42 : vector<3072xf32>
    %sqrt3A = math.sqrt %max3A_43 : vector<3072xf32>
    %add3A_44 = arith.addf %min3A_35, %reduce_sum3A_39 : vector<3072xf32>
    %max3A_45 = arith.constant 9.99999996E-13 : f32
    %max3A_46 = vector.broadcast %max3A_45 : f32 to vector<3072xf32>
    %max3A_47 = arith.maximumf %add3A_44, %max3A_46 : vector<3072xf32>
    %sqrt3A_48 = math.sqrt %max3A_47 : vector<3072xf32>
    %swap3A = arith.constant 0 : index
    %swap3A_49 = vector.load %arg3[%swap3A] : memref<3072xi32, #tpu.memory_space<vmem>>, vector<3072xi32>
    tpu.vector_store %arg3[%swap3A], %select_n3A_34 {strides = array<i32>} : memref<3072xi32, #tpu.memory_space<vmem>>, vector<3072xi32>,
    %add3A_50 = arith.constant 9.99999993E-9 : f32
    %add3A_51 = vector.broadcast %add3A_50 : f32 to vector<3072xf32>
    %add3A_52 = arith.addf %sqrt3A_48, %add3A_51 : vector<3072xf32>
    %div3A = arith.divf %sqrt3A, %add3A_52 : vector<3072xf32>
    %sub3A = arith.constant 1.000000e+00 : f32
    %sub3A_53 = vector.broadcast %sub3A : f32 to vector<3072xf32>
    %sub3A_54 = arith.subf %sub3A_53, %div3A : vector<3072xf32>
    %broadcast_in_dim3A_55 = vector.shape_cast %sub3A_54 : vector<3072xf32> to vector<3072x1xf32>
    %broadcast_in_dim3A_56 = vector.shape_cast %broadcast_in_dim3A_55 : vector<3072x1xf32> to vector<3072x1xf32>
    %broadcast_in_dim3A_57 = vector.broadcast %broadcast_in_dim3A_56 : vector<3072x1xf32> to vector<3072x16xf32>
    %swap3A_58 = arith.constant 0 : index
    %swap3A_59 = arith.constant 0 : index
    %swap3A_60 = vector.load %arg4[%swap3A_58, %swap3A_59] : memref<3072x16xf32, #tpu.memory_space<vmem>>, vector<3072x16xf32>
    tpu.vector_store %arg4[%swap3A_58, %swap3A_59], %broadcast_in_dim3A_57 {strides = array<i32>} : memref<3072x16xf32, #tpu.memory_space<vmem>>, vector<3072x16xf32>,
    return
  }
  func.func @transform_0(%arg0: i32) -> (i32, i32) {
    %c0_i32 = arith.constant 0 : i32
    %c0_i32_0 = arith.constant 0 : i32
    return %arg0, %c0_i32 : i32, i32
  }
  func.func @transform_1(%arg0: i32) -> (i32, i32) {
    %c0_i32 = arith.constant 0 : i32
    %c0_i32_0 = arith.constant 0 : i32
    %c0_i32_1 = arith.constant 0 : i32
    return %c0_i32, %c0_i32_0 : i32, i32
  }
  func.func @transform_2(%arg0: i32) -> i32 {
    %c0_i32 = arith.constant 0 : i32
    return %arg0 : i32
  }
  func.func @transform_3(%arg0: i32) -> (i32, i32) {
    %c0_i32 = arith.constant 0 : i32
    %c0_i32_0 = arith.constant 0 : i32
    return %arg0, %c0_i32 : i32, i32
  }
}

</mosaic_0001>

<sc_bundles>
// kernel: kernel.4.cloned.1.call-start
scs
__scs_entry_jumppad:
0x0: {  	(pc) =	sbr.rel $0x88, $3  }
0x1: {  	(tag) =	ssettag $0x0;
	lr =	simm.s32 $0x1  }
0x2: {  	[smem:$0x3F9F] =	sst lr;
	_ =	strace $0xD0000000  }
0x3: {  	_ = 	snop  }
0x4: {  	_ = 	snop  }
0x5: {  	_ = 	snop  }
0x6: {  	_ = 	snop  }
0x7: {  	_ = 	snop  }
__scs_overlays_trampoline_lowered:
0x8: {  	[smem:$0x3FAE] =	sst s0  }
0x9: {  	[smem:$0x3FAF] =	sst s1  }
0xa: {  	[smem:$0x3FB0] =	sst s2  }
0xb: {  	[smem:$0x3FB1] =	sst s3  }
0xc: {  	[smem:$0x3FB2] =	sst s4  }
0xd: {  	[smem:$0x3FB3] =	sst s5  }
0xe: {  	[smem:$0x3FB4] =	sst s6  }
0xf: {  	[smem:$0x3FB5] =	sst s7  }
0x10: {  	[smem:$0x3FB6] =	sst s8  }
0x11: {  	[smem:$0x3FB7] =	sst s9;
	s0 =	simm.s32 @!p0 $0x0  }
0x12: {  	s1 =	sld [smem:$0x3F9D];
	s0 =	simm.s32 @p0 $0x1  }
0x13: {  	[smem:$0x3FB8] =	sst s0;
	s0 =	simm.s32 @!p1 $0x0  }
0x14: {  	s2 =	sld [smem:$0x3F9C];
	s0 =	simm.s32 @p1 $0x1  }
0x15: {  	[smem:$0x3FB9] =	sst s0;
	s0 =	simm.s32 @!p2 $0x0  }
0x16: {  	s3 =	sld [smem:$0x3FDB];
	s0 =	simm.s32 @p2 $0x1  }
0x17: {  	s4 =	simm.s32 $0x1BF5;
	[smem:$0x3FBB] =	sst s0  }
0x18: {  	s0 =	sld [smem:$0x3F9E];
	_ =	swait.ge [sflag:s4], $0x0  }
0x19: {  	s7 =	sld [smem:$0x3F9F]  }
0x1a: {  	s8 =	sadd.s32 $0xFFFFE003, lr  }
0x1b: {  	s9 =	sadd.s32 $0xFFFFFEF7, lr;
	s5 =	simm.s32 $0xFFFFFFFF;
	p2 =	slt.u32 s8, $0xFFFFF086  }
0x1c: {  	p1 =	slt.u32 s9, $0xF7A;
	s5 =	simm.s32 @!p2 $0x0  }
0x1d: {  	s5 =	simm.s32 @p1 $0x1;
	p0 =	seq.s32 s7, s2  }
0x1e: {  	s7 =	smul.u32 @!p0 $0xF7A, s2;
	p2 =	seq.s32 @!p0 s5, $0x0  }
0x1f: {  	s9 =	smul.u32 $0xF7A, s1;
	s8 =	simm.s32 @!p0 $0x1BF5;
	p2 =	por !p2, p0  }
0x20: {  	[sflag:s8] =	ssyncset.s32 @!p0 $0xFFFFF086;
	s6 =	sadd.s32 @!p0 s3, s7;
	s7 =	simm.s32 @!p0 $0x108  }
0x21: {  	s3 =	sadd.s32 s3, s9;
	s6 =	sadd.s32 @!p0 $0x88, s6;
	s7 =	simm.s32 @p2 $0x1082  }
0x22: {  	[simem:s7], [sflag:s8] =	dma.local @!p0 [hbm:s6], $0xF7A  }
0x23: {  	s9 =	sor.u32 $0xD0000000, s2;
	s6 =	simm.s32 $0x108;
	_ =	swait.ge @!p0 [sflag:s8], $0x0  }
0x24: {  	s3 =	sadd.s32 $0x88, s3;
	s6 =	simm.s32 @!p1 $0x1082;
	[sflag:s4] =	ssyncset.s32 $0xFFFFF086  }
0x25: {  	[simem:s6], [sflag:s4] =	dma.local [hbm:s3], $0xF7A  }
0x26: {  	[smem:$0x3F9F] =	sst s1;
	(tag) =	ssettag s2;
	_ =	strace s9  }
0x27: {  	s1 =	sld [smem:$0x3FAF]  }
0x28: {  	s2 =	sld [smem:$0x3FB0]  }
0x29: {  	s4 =	sld [smem:$0x3FB2]  }
0x2a: {  	p0 =	seq.s32 s5, $0x0;
	s5 =	sld [smem:$0x3FB3]  }
0x2b: {  	s6 =	sld [smem:$0x3FB4]  }
0x2c: {  	s7 =	sld [smem:$0x3FB5]  }
0x2d: {  	s3 =	simm.s32 $0x108;
	s8 =	sld [smem:$0x3FB6]  }
0x2e: {  	s3 =	simm.s32 @!p0 $0x1082;
	s9 =	sld [smem:$0x3FB7]  }
0x2f: {  	lr =	sadd.s32 s0, s3;
	s0 =	sld [smem:$0x3FAE]  }
0x30: {  	s3 =	sld [smem:$0x3FB1]  }
0x31: {  	[smem:$0x3FBA] =	sst s10  }
0x32: {  	s10 =	sld [smem:$0x3FB8];
	_ =	sdelay $0x3  }
0x33: {  	p0 =	seq.s32 s10, $0x1;
	s10 =	sld [smem:$0x3FBA];
	_ =	sdelay $0x3  }
0x34: {  	[smem:$0x3FBA] =	sst s10  }
0x35: {  	s10 =	sld [smem:$0x3FB9];
	_ =	sdelay $0x3  }
0x36: {  	p1 =	seq.s32 s10, $0x1;
	s10 =	sld [smem:$0x3FBA];
	_ =	sdelay $0x3  }
0x37: {  	[smem:$0x3FBA] =	sst s10  }
0x38: {  	s10 =	sld [smem:$0x3FBB]  }
0x39: {  	_ = 	snop;
	(pc) =	sbr.ind lr, $3  }
0x3a: {  	_ = 	snop  }
0x3b: {  	_ = 	snop  }
0x3c: {  	p2 =	seq.s32 s10, $0x1;
	s10 =	sld [smem:$0x3FBA]  }
0x3d: {  	_ =	shalt  }
0x3e: {  	_ =	shalt  }
0x3f: {  	_ =	shalt  }
0x40: {  	_ =	shalt  }
0x41: {  	_ =	shalt  }
0x42: {  	_ =	shalt  }
0x43: {  	_ =	shalt  }
0x44: {  	_ =	shalt  }
0x45: {  	_ =	shalt  }
0x46: {  	_ =	shalt  }
0x47: {  	_ =	shalt  }
0x48: {  	_ =	shalt  }
0x49: {  	_ =	shalt  }
0x4a: {  	_ =	shalt  }
0x4b: {  	_ =	shalt  }
0x4c: {  	_ =	shalt  }
0x4d: {  	_ =	shalt  }
0x4e: {  	_ =	shalt  }
0x4f: {  	_ =	shalt  }
0x50: {  	_ =	shalt  }
0x51: {  	_ =	shalt  }
0x52: {  	_ =	shalt  }
0x53: {  	_ =	shalt  }
0x54: {  	_ =	shalt  }
0x55: {  	_ =	shalt  }
0x56: {  	_ =	shalt  }
0x57: {  	_ =	shalt  }
0x58: {  	_ =	shalt  }
0x59: {  	_ =	shalt  }
0x5a: {  	_ =	shalt  }
0x5b: {  	_ =	shalt  }
0x5c: {  	_ =	shalt  }
0x5d: {  	_ =	shalt  }
0x5e: {  	_ =	shalt  }
0x5f: {  	_ =	shalt  }
0x60: {  	_ =	shalt  }
0x61: {  	_ =	shalt  }
0x62: {  	_ =	shalt  }
0x63: {  	_ =	shalt  }
0x64: {  	_ =	shalt  }
0x65: {  	_ =	shalt  }
0x66: {  	_ =	shalt  }
0x67: {  	_ =	shalt  }
0x68: {  	_ =	shalt  }
0x69: {  	_ =	shalt  }
0x6a: {  	_ =	shalt  }
0x6b: {  	_ =	shalt  }
0x6c: {  	_ =	shalt  }
0x6d: {  	_ =	shalt  }
0x6e: {  	_ =	shalt  }
0x6f: {  	_ =	shalt  }
0x70: {  	_ =	shalt  }
0x71: {  	_ =	shalt  }
0x72: {  	_ =	shalt  }
0x73: {  	_ =	shalt  }
0x74: {  	_ =	shalt  }
0x75: {  	_ =	shalt  }
0x76: {  	_ =	shalt  }
0x77: {  	_ =	shalt  }
0x78: {  	_ =	shalt  }
0x79: {  	_ =	shalt  }
0x7a: {  	_ =	shalt  }
0x7b: {  	_ =	shalt  }
0x7c: {  	_ =	shalt  }
0x7d: {  	_ =	shalt  }
0x7e: {  	_ =	shalt  }
0x7f: {  	_ =	shalt  }
0x80: {  	_ =	shalt  }
0x81: {  	_ =	shalt  }
0x82: {  	_ =	shalt  }
0x83: {  	_ =	shalt  }
0x84: {  	_ =	shalt  }
0x85: {  	_ =	shalt  }
0x86: {  	_ =	shalt  }
0x87: {  	_ =	shalt  }
.Lfunc_end0:
.L_simem_size_0:
called_computation_lowered:
.L_overlay_start_0:
0x88: {  	s2 =	sld [smem:$0x3FD9]  }
0x89: {  	s3 =	sld [smem:$0x3FFE];
	_ =	sdelay $0x1  }
0x8a: {  	s1 =	srdreg.scid  }
0x8b: {  	s0 =	sand.u32 $0x1, s1  }
0x8c: {  	s17 =	sshll.u32 s0, $0xA;
	s2 =	sadd.s32 s3, s2  }
0x8d: {  	s2 =	sadd.s32 s2, s17  }
0x8e: {  	[smem:$0x3FC6] =	sst s2  }
0x8f: {  	_ = 	snop  }
0x90: {  	s2 =	sld [smem:$0x3FC8]  }
0x91: {  	s18 =	sld [smem:$0x3FD0];
	(tm) =	ssettm $0x1  }
0x92: {  	s4 =	sld [smem:$0x3FFB];
	_ =	sdelay $0x3  }
0x93: {  	_ =	strace s4  }
0x94: {  	s4 =	sld [smem:$0x3FFC];
	_ =	sdelay $0x3  }
0x95: {  	_ =	strace s4  }
0x96: {  	s4 =	sld [smem:$0x3FFD];
	_ =	sdelay $0x3  }
0x97: {  	_ =	strace s4  }
0x98: {  	_ =	strace $0x8FFFFFFF  }
0x99: {  	s19 =	sld [smem:$0x3FDB];
	_ =	sdelay $0x1  }
0x9a: {  	s5 =	simm.s32 $_scs_section_size  }
0x9b: {  	s6 =	simm.s32 $_size__tile_overlayer_lowered;
	s7 =	simm.s32 $_tile_overlayer_lowered  }
0x9c: {  	s22 =	simm.s32 $0x1BFF;
	s21 =	sshll.u32 s7, $0x1;
	s4 =	sadd.s32 s5, s19  }
0x9d: {  	s8 =	simm.s32 $0x0;
	s20 =	sshll.u32 s6, $0x1;
	s6 =	sadd.s32 s21, s4  }
0x9e: {  	[timem:s8], [sflag:s22] =	dma.local [hbm:s6], s20  }
0x9f: {  	_ =	swait.ge [sflag:s22], s20  }
0xa0: {  	s5 =	ssub.s32 $0x0, s20;
	[sflag:s22] =	ssyncset.done $0x0  }
0xa1: {  	[sflag:s22] =	ssyncadd.s32 s5;
	_ =	sdelay $0x1  }
0xa2: {  	s23 =	simm.s32 $0x1B8B  }
0xa3: {  	_ =	swait.ge [sflag:s23], $0x1  }
0xa4: {  	[sflag:s23] =	ssyncset.done $0x0  }
0xa5: {  	s25 =	simm.s32 $0x1B8E;
	s24 =	sld [smem:$0x3FFE];
	[sflag:s23] =	ssyncadd.s32 $0xFFFFFFFF  }
0xa6: {  	s26 =	simm.s32 $execute0_lowered;
	[smem:$0x3FD2] =	sst s25  }
0xa7: {  	s6 =	sshll.u32 s26, $0x1;
	_ =	strace $0x80000046;
	[dreg:$0x1] =	wrdreg $0xFFFFFFFF  }
0xa8: {  	s28 =	simm.s32 $_size_execute0_lowered;
	s4 =	sadd.s32 s4, s6;
	[dreg:$0x0] =	wrdreg $0x0  }
0xa9: {  	s6 =	sshll.u32 s28, $0x1;
	[dreg:$0x2] =	wrdreg s4  }
0xaa: {  	[dreg:$0x3] =	wrdreg s6  }
0xab: {  	[dreg:$0x4] =	wrdreg $0xC0  }
0xac: {  	_ =	task [dreg:s8], $0x5FFFF  }
0xad: {  	[dreg:$0x1] =	wrdreg $0xFFFFFFFF  }
0xae: {  	[dreg:$0x0] =	wrdreg $0x60  }
0xaf: {  	[dreg:$0x2] =	wrdreg s2  }
0xb0: {  	[dreg:$0x3] =	wrdreg s24  }
0xb1: {  	[dreg:$0x4] =	wrdreg s18  }
0xb2: {  	[dreg:$0x5] =	wrdreg $0x9  }
0xb3: {  	_ =	task.clear_ibuf [dreg:s8], $0x6FFFF;
	_ =	strace $0x90000046  }
0xb4: {  	s29 =	simm.s32 $0x9;
	_ =	strace $0x80000048  }
0xb5: {  	_ =	swait.ge [sflag:s29], $0x1  }
0xb6: {  	[sflag:s29] =	ssyncadd.s32 $0xFFFFFFFF  }
0xb7: {  	_ =	strace $0x90000048  }
0xb8: {  	_ =	sfence  }
0xb9: {  	s30 =	sld [smem:$0x0];
	_ =	sdelay $0x2  }
0xba: {  	s31 =	sshll.u32 s1, $0xD;
	s1 =	sshrl.u32 s1, $0x2  }
0xbb: {  	s3 =	sand.u32 $0x4000, s31;
	s1 =	sadd.s32 s1, s30  }
0xbc: {  	s0 =	sor.u32 s3, s0;
	s1 =	sshll.u32 s1, $0x11  }
0xbd: {  	s0 =	sor.u32 s1, s0  }
0xbe: {  	s0 =	sadd.s32 $0x8F2B, s0  }
0xbf: {  	[sflag:s0] =	ssyncadd.remote.s32 $0x1  }
0xc0: {  	_ =	sfence.sel $0xFFFF  }
0xc1: {  	[dreg:$0x0] =	wrdreg $0xFFFFFFFF;
	(pc) =	sbr.abs _section_cstart, $3  }
0xc2: {  	[dreg:$0x1] =	wrdreg $0xFFFFFFFF  }
0xc3: {  	_ =	task.clear_ibuf [dreg:s8], $0x2FFFF;
	_ =	strace $0x9FFFFFFF  }
0xc4: {  	(tm) =	ssettm $0x7FFFFFFF  }
0xc5: {  	_ =	shalt  }
tec
execute0_lowered:
.L_overlay_start_1:
0x0: {  	(tag) =	ssettag $0x1  }
0x1: {  	s1 =	rddreg [dreg:$0x0]  }
0x2: {  	s0 =	rddreg [dreg:$0x1]  }
0x3: {  	s2 =	srdreg.scid;
	s3 =	stileid.u32  }
0x4: {  	s7 =	rddreg [dreg:$0x2];
	s11 =	simm.s32 $0x6;
	s13 =	simm.s32 $0x9180  }
0x5: {  	s22 =	simm.s32 $0xD980;
	s20 =	simm.s32 $0x16980;
	s28 =	simm.s32 $0x19980  }
0x6: {  	s29 =	simm.s32 $0x1A180;
	s2 =	sand.u32 $0x1, s2;
	s4 =	sshll.u32 s3, $0x1  }
0x7: {  	s30 =	simm.s32 $0x1A980;
	s31 =	simm.s32 $0x1;
	s4 =	sor.u32 s2, s4  }
0x8: {  	s12 =	simm.s32 $0x3;
	s14 =	simm.s32 $0x4;
	s5 =	smul.u32 $0x24, s4  }
0x9: {  	s15 =	simm.s32 $0x5;
	s16 =	simm.s32 $0x0;
	s6 =	smul.u32 $0x1200, s4  }
0xa: {  	s3 =	simm.s32 $0x0;
	s2 =	ssub.s32 $0x2, s2;
	s8 =	smul.u32 $0x12000, s4  }
0xb: {  	[smem:$0x7FF] =	sst s3;
	s25 =	sshrl.u32 s2, $0x1;
	s9 =	smul.u32 $0x2400, s4  }
0xc: {  	_ =	strace $0x80000047;
	s2 =	ssub.s32 s2, s25;
	s5 =	sadd.s32 s5, s0  }
0xd: {  	s0 =	sadd.s32 s6, s0;
	s8 =	sshrl.u32 s8, $0x3;
	s6 =	sadd.s32 s7, s9  }
0xe: {  	v2 =	vlaneseq.u32;
	s10 =	smax.u32 s2, $0x1;
	s2 =	simm.s32 $0x12180;
	s4 =	sadd.s32 $0x24E00, s5  }
0xf: {  	vm0 =	vmmov $0xffff;
	v1 =	vshrl.u32 v2, $0x3;
	s5 =	sadd.s32 $0xE00, s0;
	s26 =	sadd.s32 s7, s8;
	s0 =	simm.s32 $0x2  }
0x10: {  	v0 =	vand.u32 $0x7, v2;
	v2 =	vor.u32 $0x8, v2;
	v1 =	vmul.u32 $0x8, v1;
	s7 =	sadd.s32 $0x900, s26;
	s8 =	sadd.s32 $0x1200, s26;
	s9 =	sadd.s32 $0x1B00, s26  }
.LBB2_1:
0x11: {  	[tilespmem:s3], [sflag:$0x6] =	stream.linear.gather [hbm4b:s4+s3], $0x120, $0x38;
	[tilespmem:$0x1B180] =	vst v63  }
0x12: {  	_ =	swait.ge [sflag:s11], $0x120  }
0x13: {  	[sflag:s11] =	ssyncset.done $0x0  }
0x14: {  	s17 =	simm.s32 $0x180;
	[sflag:s11] =	ssyncadd.s32 $0xFFFFFEE0  }
0x15: {  	[tilespmem:s17], [sflag:$0x6] =	stream.linear.gather [hbm4b:s5+s3], $0x9000, $0x38;
	[tilespmem:$0x1B180] =	vst v63  }
0x16: {  	_ =	swait.ge [sflag:s11], $0x9000  }
0x17: {  	[sflag:s11] =	ssyncset.done $0x0  }
0x18: {  	[sflag:s11] =	ssyncadd.s32 $0xFFFF7000  }
0x19: {  	v3 =	vld [tilespmem:$0x0];
	_ =	sdelay $0x4  }
0x1a: {  	v4 =	vshll.u32 v3, $0x1  }
0x1b: {  	v3 =	vand.u32 $0x7, v3;
	v4 =	vand.u32 $0xFFFFFFF0, v4  }
0x1c: {  	v3 =	vor.u32 v3, v4  }
0x1d: {  	v4 =	vperm.xlane v3, v0;
	_ =	sdelay $0x1  }
0x1e: {  	v3 =	vperm.xlane v3, v2;
	v4 =	vadd.s32 v1, v4;
	_ =	sdelay $0x1  }
0x1f: {  	v3 =	vadd.s32 v1, v3;
	_ =	sdelay $0x2  }
0x20: {  	[tilespmem:s13], [sflag:$0x1] =	stream.indirect_vreg.gather [hbm4b:s1+s3], $0x80, v4, vm0, $0xb8;
	[tilespmem:$0x1B180] =	vst v63  }
0x21: {  	s25 =	simm.s32 $0x9980  }
0x22: {  	[tilespmem:s25], [sflag:$0x1] =	stream.indirect_vreg.gather [hbm4b:s1+s3], $0x80, v3, vm0, $0xb8;
	[tilespmem:$0x1B180] =	vst v63  }
0x23: {  	v3 =	vld [tilespmem:$0x10];
	_ =	sdelay $0x4  }
0x24: {  	v4 =	vshll.u32 v3, $0x1  }
0x25: {  	v3 =	vand.u32 $0x7, v3;
	v4 =	vand.u32 $0xFFFFFFF0, v4  }
0x26: {  	v3 =	vor.u32 v3, v4  }
0x27: {  	v4 =	vperm.xlane v3, v0;
	_ =	sdelay $0x1  }
0x28: {  	v3 =	vperm.xlane v3, v2;
	v4 =	vadd.s32 v1, v4;
	_ =	sdelay $0x1  }
0x29: {  	v3 =	vadd.s32 v1, v3;
	_ =	sdelay $0x1  }
0x2a: {  	s26 =	simm.s32 $0xA180  }
0x2b: {  	[tilespmem:s26], [sflag:$0x1] =	stream.indirect_vreg.gather [hbm4b:s1+s3], $0x80, v4, vm0, $0xb8;
	[tilespmem:$0x1B180] =	vst v63  }
0x2c: {  	s18 =	simm.s32 $0xA980  }
0x2d: {  	[tilespmem:s18], [sflag:$0x1] =	stream.indirect_vreg.gather [hbm4b:s1+s3], $0x80, v3, vm0, $0xb8;
	[tilespmem:$0x1B180] =	vst v63  }
0x2e: {  	v3 =	vld [tilespmem:$0x20];
	_ =	sdelay $0x4  }
0x2f: {  	v4 =	vshll.u32 v3, $0x1  }
0x30: {  	v3 =	vand.u32 $0x7, v3;
	v4 =	vand.u32 $0xFFFFFFF0, v4  }
0x31: {  	v3 =	vor.u32 v3, v4  }
0x32: {  	v4 =	vperm.xlane v3, v0;
	_ =	sdelay $0x1  }
0x33: {  	v3 =	vperm.xlane v3, v2;
	v4 =	vadd.s32 v1, v4;
	_ =	sdelay $0x1  }
0x34: {  	v3 =	vadd.s32 v1, v3;
	_ =	sdelay $0x1  }
0x35: {  	s19 =	simm.s32 $0xB180  }
0x36: {  	[tilespmem:s19], [sflag:$0x1] =	stream.indirect_vreg.gather [hbm4b:s1+s3], $0x80, v4, vm0, $0xb8;
	[tilespmem:$0x1B180] =	vst v63  }
0x37: {  	s21 =	simm.s32 $0xB980  }
0x38: {  	[tilespmem:s21], [sflag:$0x1] =	stream.indirect_vreg.gather [hbm4b:s1+s3], $0x80, v3, vm0, $0xb8;
	[tilespmem:$0x1B180] =	vst v63  }
0x39: {  	v3 =	vld [tilespmem:$0x30];
	_ =	sdelay $0x4  }
0x3a: {  	v4 =	vshll.u32 v3, $0x1  }
0x3b: {  	v3 =	vand.u32 $0x7, v3;
	v4 =	vand.u32 $0xFFFFFFF0, v4  }
0x3c: {  	v3 =	vor.u32 v3, v4  }
0x3d: {  	v4 =	vperm.xlane v3, v0;
	_ =	sdelay $0x1  }
0x3e: {  	v3 =	vperm.xlane v3, v2;
	v4 =	vadd.s32 v1, v4;
	_ =	sdelay $0x1  }
0x3f: {  	v3 =	vadd.s32 v1, v3;
	_ =	sdelay $0x1  }
0x40: {  	s23 =	simm.s32 $0xC180  }
0x41: {  	[tilespmem:s23], [sflag:$0x1] =	stream.indirect_vreg.gather [hbm4b:s1+s3], $0x80, v4, vm0, $0xb8;
	[tilespmem:$0x1B180] =	vst v63  }
0x42: {  	s24 =	simm.s32 $0xC980  }
0x43: {  	[tilespmem:s24], [sflag:$0x1] =	stream.indirect_vreg.gather [hbm4b:s1+s3], $0x80, v3, vm0, $0xb8;
	[tilespmem:$0x1B180] =	vst v63  }
0x44: {  	v3 =	vld.msk [tilespmem:$0x40], $0xff;
	_ =	sdelay $0x4  }
0x45: {  	v4 =	vshll.u32 v3, $0x1  }
0x46: {  	v3 =	vand.u32 $0x7, v3;
	v4 =	vand.u32 $0xFFFFFFF0, v4  }
0x47: {  	v3 =	vor.u32 v3, v4  }
0x48: {  	v3 =	vperm.xlane v3, v0;
	_ =	sdelay $0x1  }
0x49: {  	v3 =	vadd.s32 v1, v3;
	_ =	sdelay $0x3  }
0x4a: {  	s25 =	simm.s32 $0xD180  }
0x4b: {  	[tilespmem:s25], [sflag:$0x1] =	stream.indirect_vreg.gather [hbm4b:s1+s3], $0x80, v3, vm0, $0xb8;
	[tilespmem:$0x1B180] =	vst v63  }
0x4c: {  	v3 =	vld [tilespmem:$0x48];
	_ =	sdelay $0x4  }
0x4d: {  	v4 =	vshll.u32 v3, $0x1  }
0x4e: {  	v3 =	vand.u32 $0x7, v3;
	v4 =	vand.u32 $0xFFFFFFF0, v4  }
0x4f: {  	v3 =	vor.u32 v3, v4  }
0x50: {  	v4 =	vperm.xlane v3, v0;
	_ =	sdelay $0x1  }
0x51: {  	v3 =	vperm.xlane v3, v2;
	v4 =	vadd.s32 v1, v4;
	_ =	sdelay $0x1  }
0x52: {  	v3 =	vadd.s32 v1, v3;
	_ =	sdelay $0x2  }
0x53: {  	[tilespmem:s22], [sflag:$0x2] =	stream.indirect_vreg.gather [hbm4b:s1+s3], $0x80, v4, vm0, $0xb8;
	[tilespmem:$0x1B180] =	vst v63  }
0x54: {  	s26 =	simm.s32 $0xE180  }
0x55: {  	[tilespmem:s26], [sflag:$0x2] =	stream.indirect_vreg.gather [hbm4b:s1+s3], $0x80, v3, vm0, $0xb8;
	[tilespmem:$0x1B180] =	vst v63  }
0x56: {  	v3 =	vld [tilespmem:$0x58];
	_ =	sdelay $0x4  }
0x57: {  	v4 =	vshll.u32 v3, $0x1  }
0x58: {  	v3 =	vand.u32 $0x7, v3;
	v4 =	vand.u32 $0xFFFFFFF0, v4  }
0x59: {  	v3 =	vor.u32 v3, v4  }
0x5a: {  	v4 =	vperm.xlane v3, v0;
	_ =	sdelay $0x1  }
0x5b: {  	v3 =	vperm.xlane v3, v2;
	v4 =	vadd.s32 v1, v4;
	_ =	sdelay $0x1  }
0x5c: {  	v3 =	vadd.s32 v1, v3;
	_ =	sdelay $0x1  }
0x5d: {  	s18 =	simm.s32 $0xE980  }
0x5e: {  	[tilespmem:s18], [sflag:$0x2] =	stream.indirect_vreg.gather [hbm4b:s1+s3], $0x80, v4, vm0, $0xb8;
	[tilespmem:$0x1B180] =	vst v63  }
0x5f: {  	s19 =	simm.s32 $0xF180  }
0x60: {  	[tilespmem:s19], [sflag:$0x2] =	stream.indirect_vreg.gather [hbm4b:s1+s3], $0x80, v3, vm0, $0xb8;
	[tilespmem:$0x1B180] =	vst v63  }
0x61: {  	v3 =	vld [tilespmem:$0x68];
	_ =	sdelay $0x4  }
0x62: {  	v4 =	vshll.u32 v3, $0x1  }
0x63: {  	v3 =	vand.u32 $0x7, v3;
	v4 =	vand.u32 $0xFFFFFFF0, v4  }
0x64: {  	v3 =	vor.u32 v3, v4  }
0x65: {  	v4 =	vperm.xlane v3, v0;
	_ =	sdelay $0x1  }
0x66: {  	v3 =	vperm.xlane v3, v2;
	v4 =	vadd.s32 v1, v4;
	_ =	sdelay $0x1  }
0x67: {  	v3 =	vadd.s32 v1, v3;
	_ =	sdelay $0x1  }
0x68: {  	s21 =	simm.s32 $0xF980  }
0x69: {  	[tilespmem:s21], [sflag:$0x2] =	stream.indirect_vreg.gather [hbm4b:s1+s3], $0x80, v4, vm0, $0xb8;
	[tilespmem:$0x1B180] =	vst v63  }
0x6a: {  	s23 =	simm.s32 $0x10180  }
0x6b: {  	[tilespmem:s23], [sflag:$0x2] =	stream.indirect_vreg.gather [hbm4b:s1+s3], $0x80, v3, vm0, $0xb8;
	[tilespmem:$0x1B180] =	vst v63  }
0x6c: {  	v3 =	vld [tilespmem:$0x78];
	_ =	sdelay $0x4  }
0x6d: {  	v4 =	vshll.u32 v3, $0x1  }
0x6e: {  	v3 =	vand.u32 $0x7, v3;
	v4 =	vand.u32 $0xFFFFFFF0, v4  }
0x6f: {  	v3 =	vor.u32 v3, v4  }
0x70: {  	v4 =	vperm.xlane v3, v0;
	_ =	sdelay $0x1  }
0x71: {  	v3 =	vperm.xlane v3, v2;
	v4 =	vadd.s32 v1, v4;
	_ =	sdelay $0x1  }
0x72: {  	v3 =	vadd.s32 v1, v3;
	_ =	sdelay $0x1  }
0x73: {  	s24 =	simm.s32 $0x10980  }
0x74: {  	[tilespmem:s24], [sflag:$0x2] =	stream.indirect_vreg.gather [hbm4b:s1+s3], $0x80, v4, vm0, $0xb8;
	[tilespmem:$0x1B180] =	vst v63  }
0x75: {  	s25 =	simm.s32 $0x11180  }
0x76: {  	[tilespmem:s25], [sflag:$0x2] =	stream.indirect_vreg.gather [hbm4b:s1+s3], $0x80, v3, vm0, $0xb8;
	[tilespmem:$0x1B180] =	vst v63  }
0x77: {  	v3 =	vld.msk [tilespmem:$0x88], $0xff;
	_ =	sdelay $0x4  }
0x78: {  	v4 =	vshll.u32 v3, $0x1  }
0x79: {  	v3 =	vand.u32 $0x7, v3;
	v4 =	vand.u32 $0xFFFFFFF0, v4  }
0x7a: {  	v3 =	vor.u32 v3, v4  }
0x7b: {  	v3 =	vperm.xlane v3, v0;
	_ =	sdelay $0x1  }
0x7c: {  	v3 =	vadd.s32 v1, v3;
	_ =	sdelay $0x3  }
0x7d: {  	s26 =	simm.s32 $0x11980  }
0x7e: {  	[tilespmem:s26], [sflag:$0x2] =	stream.indirect_vreg.gather [hbm4b:s1+s3], $0x80, v3, vm0, $0xb8;
	[tilespmem:$0x1B180] =	vst v63  }
0x7f: {  	v3 =	vld [tilespmem:$0x90];
	_ =	sdelay $0x4  }
0x80: {  	v4 =	vshll.u32 v3, $0x1  }
0x81: {  	v3 =	vand.u32 $0x7, v3;
	v4 =	vand.u32 $0xFFFFFFF0, v4  }
0x82: {  	v3 =	vor.u32 v3, v4  }
0x83: {  	v4 =	vperm.xlane v3, v0;
	_ =	sdelay $0x1  }
0x84: {  	v3 =	vperm.xlane v3, v2;
	v4 =	vadd.s32 v1, v4;
	_ =	sdelay $0x1  }
0x85: {  	v3 =	vadd.s32 v1, v3;
	_ =	sdelay $0x2  }
0x86: {  	[tilespmem:s2], [sflag:$0x3] =	stream.indirect_vreg.gather [hbm4b:s1+s3], $0x80, v4, vm0, $0xb8;
	[tilespmem:$0x1B180] =	vst v63  }
0x87: {  	s18 =	simm.s32 $0x12980  }
0x88: {  	[tilespmem:s18], [sflag:$0x3] =	stream.indirect_vreg.gather [hbm4b:s1+s3], $0x80, v3, vm0, $0xb8;
	[tilespmem:$0x1B180] =	vst v63  }
0x89: {  	v3 =	vld [tilespmem:$0xA0];
	_ =	sdelay $0x4  }
0x8a: {  	v4 =	vshll.u32 v3, $0x1  }
0x8b: {  	v3 =	vand.u32 $0x7, v3;
	v4 =	vand.u32 $0xFFFFFFF0, v4  }
0x8c: {  	v3 =	vor.u32 v3, v4  }
0x8d: {  	v4 =	vperm.xlane v3, v0;
	_ =	sdelay $0x1  }
0x8e: {  	v3 =	vperm.xlane v3, v2;
	v4 =	vadd.s32 v1, v4;
	_ =	sdelay $0x1  }
0x8f: {  	v3 =	vadd.s32 v1, v3;
	_ =	sdelay $0x1  }
0x90: {  	s19 =	simm.s32 $0x13180  }
0x91: {  	[tilespmem:s19], [sflag:$0x3] =	stream.indirect_vreg.gather [hbm4b:s1+s3], $0x80, v4, vm0, $0xb8;
	[tilespmem:$0x1B180] =	vst v63  }
0x92: {  	s21 =	simm.s32 $0x13980  }
0x93: {  	[tilespmem:s21], [sflag:$0x3] =	stream.indirect_vreg.gather [hbm4b:s1+s3], $0x80, v3, vm0, $0xb8;
	[tilespmem:$0x1B180] =	vst v63  }
0x94: {  	v3 =	vld [tilespmem:$0xB0];
	_ =	sdelay $0x4  }
0x95: {  	v4 =	vshll.u32 v3, $0x1  }
0x96: {  	v3 =	vand.u32 $0x7, v3;
	v4 =	vand.u32 $0xFFFFFFF0, v4  }
0x97: {  	v3 =	vor.u32 v3, v4  }
0x98: {  	v4 =	vperm.xlane v3, v0;
	_ =	sdelay $0x1  }
0x99: {  	v3 =	vperm.xlane v3, v2;
	v4 =	vadd.s32 v1, v4;
	_ =	sdelay $0x1  }
0x9a: {  	v3 =	vadd.s32 v1, v3;
	_ =	sdelay $0x1  }
0x9b: {  	s23 =	simm.s32 $0x14180  }
0x9c: {  	[tilespmem:s23], [sflag:$0x3] =	stream.indirect_vreg.gather [hbm4b:s1+s3], $0x80, v4, vm0, $0xb8;
	[tilespmem:$0x1B180] =	vst v63  }
0x9d: {  	s24 =	simm.s32 $0x14980  }
0x9e: {  	[tilespmem:s24], [sflag:$0x3] =	stream.indirect_vreg.gather [hbm4b:s1+s3], $0x80, v3, vm0, $0xb8;
	[tilespmem:$0x1B180] =	vst v63  }
0x9f: {  	v3 =	vld [tilespmem:$0xC0];
	_ =	sdelay $0x4  }
0xa0: {  	v4 =	vshll.u32 v3, $0x1  }
0xa1: {  	v3 =	vand.u32 $0x7, v3;
	v4 =	vand.u32 $0xFFFFFFF0, v4  }
0xa2: {  	v3 =	vor.u32 v3, v4  }
0xa3: {  	v4 =	vperm.xlane v3, v0;
	_ =	sdelay $0x1  }
0xa4: {  	v3 =	vperm.xlane v3, v2;
	v4 =	vadd.s32 v1, v4;
	_ =	sdelay $0x1  }
0xa5: {  	v3 =	vadd.s32 v1, v3;
	_ =	sdelay $0x1  }
0xa6: {  	s25 =	simm.s32 $0x15180  }
0xa7: {  	[tilespmem:s25], [sflag:$0x3] =	stream.indirect_vreg.gather [hbm4b:s1+s3], $0x80, v4, vm0, $0xb8;
	[tilespmem:$0x1B180] =	vst v63  }
0xa8: {  	s26 =	simm.s32 $0x15980  }
0xa9: {  	[tilespmem:s26], [sflag:$0x3] =	stream.indirect_vreg.gather [hbm4b:s1+s3], $0x80, v3, vm0, $0xb8;
	[tilespmem:$0x1B180] =	vst v63  }
0xaa: {  	v3 =	vld.msk [tilespmem:$0xD0], $0xff;
	_ =	sdelay $0x4  }
0xab: {  	v4 =	vshll.u32 v3, $0x1  }
0xac: {  	v3 =	vand.u32 $0x7, v3;
	v4 =	vand.u32 $0xFFFFFFF0, v4  }
0xad: {  	v3 =	vor.u32 v3, v4  }
0xae: {  	v3 =	vperm.xlane v3, v0;
	_ =	sdelay $0x1  }
0xaf: {  	v3 =	vadd.s32 v1, v3;
	_ =	sdelay $0x3  }
0xb0: {  	s18 =	simm.s32 $0x16180  }
0xb1: {  	[tilespmem:s18], [sflag:$0x3] =	stream.indirect_vreg.gather [hbm4b:s1+s3], $0x80, v3, vm0, $0xb8;
	[tilespmem:$0x1B180] =	vst v63  }
0xb2: {  	v3 =	vld [tilespmem:$0xD8];
	_ =	sdelay $0x4  }
0xb3: {  	v4 =	vshll.u32 v3, $0x1  }
0xb4: {  	v3 =	vand.u32 $0x7, v3;
	v4 =	vand.u32 $0xFFFFFFF0, v4  }
0xb5: {  	v3 =	vor.u32 v3, v4  }
0xb6: {  	v4 =	vperm.xlane v3, v0;
	_ =	sdelay $0x1  }
0xb7: {  	v3 =	vperm.xlane v3, v2;
	v4 =	vadd.s32 v1, v4;
	_ =	sdelay $0x1  }
0xb8: {  	v3 =	vadd.s32 v1, v3;
	_ =	sdelay $0x2  }
0xb9: {  	[tilespmem:s20], [sflag:$0x4] =	stream.indirect_vreg.gather [hbm4b:s1+s3], $0x80, v4, vm0, $0xb8;
	[tilespmem:$0x1B180] =	vst v63  }
0xba: {  	s19 =	simm.s32 $0x17180  }
0xbb: {  	[tilespmem:s19], [sflag:$0x4] =	stream.indirect_vreg.gather [hbm4b:s1+s3], $0x80, v3, vm0, $0xb8;
	[tilespmem:$0x1B180] =	vst v63  }
0xbc: {  	v3 =	vld [tilespmem:$0xE8];
	_ =	sdelay $0x4  }
0xbd: {  	v4 =	vshll.u32 v3, $0x1  }
0xbe: {  	v3 =	vand.u32 $0x7, v3;
	v4 =	vand.u32 $0xFFFFFFF0, v4  }
0xbf: {  	v3 =	vor.u32 v3, v4  }
0xc0: {  	v4 =	vperm.xlane v3, v0;
	_ =	sdelay $0x1  }
0xc1: {  	v3 =	vperm.xlane v3, v2;
	v4 =	vadd.s32 v1, v4;
	_ =	sdelay $0x1  }
0xc2: {  	v3 =	vadd.s32 v1, v3;
	_ =	sdelay $0x1  }
0xc3: {  	s21 =	simm.s32 $0x17980  }
0xc4: {  	[tilespmem:s21], [sflag:$0x4] =	stream.indirect_vreg.gather [hbm4b:s1+s3], $0x80, v4, vm0, $0xb8;
	[tilespmem:$0x1B180] =	vst v63  }
0xc5: {  	s23 =	simm.s32 $0x18180  }
0xc6: {  	[tilespmem:s23], [sflag:$0x4] =	stream.indirect_vreg.gather [hbm4b:s1+s3], $0x80, v3, vm0, $0xb8;
	[tilespmem:$0x1B180] =	vst v63  }
0xc7: {  	v3 =	vld [tilespmem:$0xF8];
	_ =	sdelay $0x4  }
0xc8: {  	v4 =	vshll.u32 v3, $0x1  }
0xc9: {  	v3 =	vand.u32 $0x7, v3;
	v4 =	vand.u32 $0xFFFFFFF0, v4  }
0xca: {  	v3 =	vor.u32 v3, v4  }
0xcb: {  	v4 =	vperm.xlane v3, v0;
	_ =	sdelay $0x1  }
0xcc: {  	v3 =	vperm.xlane v3, v2;
	v4 =	vadd.s32 v1, v4;
	_ =	sdelay $0x1  }
0xcd: {  	v3 =	vadd.s32 v1, v3;
	_ =	sdelay $0x1  }
0xce: {  	s24 =	simm.s32 $0x18980  }
0xcf: {  	[tilespmem:s24], [sflag:$0x4] =	stream.indirect_vreg.gather [hbm4b:s1+s3], $0x80, v4, vm0, $0xb8;
	[tilespmem:$0x1B180] =	vst v63  }
0xd0: {  	s25 =	simm.s32 $0x19180  }
0xd1: {  	[tilespmem:s25], [sflag:$0x4] =	stream.indirect_vreg.gather [hbm4b:s1+s3], $0x80, v3, vm0, $0xb8;
	[tilespmem:$0x1B180] =	vst v63  }
0xd2: {  	v3 =	vld [tilespmem:$0x108];
	_ =	sdelay $0x4  }
0xd3: {  	v4 =	vshll.u32 v3, $0x1  }
0xd4: {  	v3 =	vand.u32 $0x7, v3;
	v4 =	vand.u32 $0xFFFFFFF0, v4  }
0xd5: {  	v3 =	vor.u32 v3, v4  }
0xd6: {  	v4 =	vperm.xlane v3, v0;
	_ =	sdelay $0x1  }
0xd7: {  	v3 =	vperm.xlane v3, v2;
	v4 =	vadd.s32 v1, v4;
	_ =	sdelay $0x1  }
0xd8: {  	v3 =	vadd.s32 v1, v3;
	_ =	sdelay $0x2  }
0xd9: {  	[tilespmem:s28], [sflag:$0x4] =	stream.indirect_vreg.gather [hbm4b:s1+s3], $0x80, v4, vm0, $0xb8;
	[tilespmem:$0x1B180] =	vst v63  }
0xda: {  	_ = 	snop  }
0xdb: {  	[tilespmem:s29], [sflag:$0x4] =	stream.indirect_vreg.gather [hbm4b:s1+s3], $0x80, v3, vm0, $0xb8;
	[tilespmem:$0x1B180] =	vst v63  }
0xdc: {  	v3 =	vld.msk [tilespmem:$0x118], $0xff;
	_ =	sdelay $0x4  }
0xdd: {  	v4 =	vshll.u32 v3, $0x1  }
0xde: {  	v3 =	vand.u32 $0x7, v3;
	v4 =	vand.u32 $0xFFFFFFF0, v4  }
0xdf: {  	v3 =	vor.u32 v3, v4  }
0xe0: {  	v3 =	vperm.xlane v3, v0;
	_ =	sdelay $0x1  }
0xe1: {  	v3 =	vadd.s32 v1, v3;
	_ =	sdelay $0x4  }
0xe2: {  	[tilespmem:s30], [sflag:$0x4] =	stream.indirect_vreg.gather [hbm4b:s1+s3], $0x80, v3, vm0, $0xb8;
	[tilespmem:$0x1B180] =	vst v63  }
0xe3: {  	_ =	swait.ge [sflag:s31], $0x4800  }
0xe4: {  	s26 =	simm.s32 $0x80;
	[sflag:s31] =	ssyncset.done $0x0  }
0xe5: {  	s18 =	simm.s32 $0x200;
	s19 =	sand.u32 $0x7800, s3;
	[sflag:s31] =	ssyncadd.s32 $0xFFFFB800  }
0xe6: {  	s17 =	sand.u32 $0x380, s26;
	s19 =	sadd.s32 $0x9180, s19;
	v7 =	vld [tilespmem:s18+$0xFFFFFF80]  }
0xe7: {  	s17 =	sadd.s32 s17, s19;
	s21 =	simm.s32 $0x0;
	v3 =	vld [tilespmem:s18+$0x0]  }
0xe8: {  	s21 =	sand.u32 $0x300, s21;
	v4 =	vld [tilespmem:s17+$0x470]  }
0xe9: {  	s21 =	sadd.s32 s21, s19;
	v5 =	vld [tilespmem:s17+$0x0]  }
0xea: {  	v6 =	vld [tilespmem:s21+$0x0]  }
0xeb: {  	v8 =	vld [tilespmem:s21+$0x10]  }
0xec: {  	v15 =	vld [tilespmem:s17+$0x40]  }
0xed: {  	v9 =	vld [tilespmem:s21+$0x20];
	v4 =	vmul.f32 v4, v3  }
0xee: {  	v10 =	vld [tilespmem:s21+$0x30];
	v5 =	vmul.f32 v5, v3  }
0xef: {  	v11 =	vld [tilespmem:s21+$0x40];
	v6 =	vmul.f32 v6, v7;
	[tilespmem:s17+$0x470] =	vst v4  }
0xf0: {  	v12 =	vld [tilespmem:s21+$0x50];
	v8 =	vmul.f32 v8, v7;
	[tilespmem:s17+$0x0] =	vst v5  }
0xf1: {  	v13 =	vld [tilespmem:s21+$0x60];
	v62 =	vmul.f32 v15, v3;
	[tilespmem:s21+$0x0] =	vst v6  }
0xf2: {  	v14 =	vld [tilespmem:s21+$0x70];
	v6 =	vmul.f32 v9, v7;
	[tilespmem:s21+$0x10] =	vst v8  }
0xf3: {  	v59 =	vld [tilespmem:s17+$0x30];
	v8 =	vmul.f32 v10, v7;
	[tilespmem:s17+$0x40] =	vst v62  }
0xf4: {  	v4 =	vld [tilespmem:s21+$0x400];
	[tilespmem:s21+$0x20] =	vst v6;
	v6 =	vmul.f32 v11, v7  }
0xf5: {  	v10 =	vld [tilespmem:s21+$0x430];
	[tilespmem:s21+$0x30] =	vst v8;
	v8 =	vmul.f32 v12, v7  }
0xf6: {  	v5 =	vld [tilespmem:s21+$0x410];
	[tilespmem:s21+$0x40] =	vst v6;
	v6 =	vmul.f32 v13, v7  }
0xf7: {  	v57 =	vld [tilespmem:s17+$0x10];
	[tilespmem:s21+$0x50] =	vst v8;
	v8 =	vmul.f32 v14, v7  }
0xf8: {  	v58 =	vld [tilespmem:s17+$0x20];
	v14 =	vmul.f32 v59, v3;
	[tilespmem:s21+$0x60] =	vst v6  }
0xf9: {  	v9 =	vld [tilespmem:s21+$0x420];
	v4 =	vmul.f32 v4, v7;
	[tilespmem:s21+$0x70] =	vst v8  }
0xfa: {  	v11 =	vld [tilespmem:s21+$0x440];
	v10 =	vmul.f32 v10, v7;
	[tilespmem:s17+$0x30] =	vst v14  }
0xfb: {  	v5 =	vmul.f32 v5, v7;
	v8 =	vld [tilespmem:s17+$0x50];
	[tilespmem:s21+$0x400] =	vst v4  }
0xfc: {  	v4 =	vmul.f32 v57, v3;
	[tilespmem:s21+$0x430] =	vst v10;
	v10 =	vld [tilespmem:s21+$0x470]  }
0xfd: {  	v60 =	vld [tilespmem:s17+$0x60];
	[tilespmem:s21+$0x410] =	vst v5;
	v5 =	vmul.f32 v58, v3  }
0xfe: {  	v6 =	vmul.f32 v9, v7;
	[tilespmem:s17+$0x10] =	vst v4;
	v4 =	vld [tilespmem:s21+$0x450]  }
0xff: {  	v11 =	vmul.f32 v11, v7;
	[tilespmem:s17+$0x20] =	vst v5;
	v5 =	vld [tilespmem:s21+$0x460]  }
0x100: {  	v9 =	vld [tilespmem:s17+$0x70];
	[tilespmem:s21+$0x420] =	vst v6;
	v8 =	vmul.f32 v8, v3  }
0x101: {  	v61 =	vld [tilespmem:s17+$0x400];
	[tilespmem:s21+$0x440] =	vst v11;
	v10 =	vmul.f32 v10, v7  }
0x102: {  	v6 =	vld [tilespmem:s17+$0x410];
	[tilespmem:s17+$0x50] =	vst v8;
	v8 =	vmul.f32 v60, v3  }
0x103: {  	v63 =	vmul.f32 v4, v7;
	v4 =	vld [tilespmem:s17+$0x420];
	[tilespmem:s21+$0x470] =	vst v10  }
0x104: {  	v11 =	vmul.f32 v5, v7;
	v5 =	vld [tilespmem:s17+$0x430];
	[tilespmem:s17+$0x60] =	vst v8  }
0x105: {  	v7 =	vld [tilespmem:s17+$0x440];
	v10 =	vmul.f32 v9, v3;
	[tilespmem:s21+$0x450] =	vst v63  }
0x106: {  	s19 =	simm.s32 $0x0;
	s23 =	simm.s32 $0x200;
	v9 =	vmul.f32 v61, v3;
	v8 =	vld [tilespmem:s17+$0x450];
	[tilespmem:s21+$0x460] =	vst v11;
	s21 =	simm.s32 $0x180  }
.LBB2_2:
0x107: {  	s24 =	sand.u32 $0x7800, s23;
	s19 =	sadd.s32 $0x2, s19;
	[tilespmem:s17+$0x70] =	vst v10;
	v6 =	vmul.f32 v6, v3;
	v10 =	vld [tilespmem:s17+$0x460];
	s18 =	sadd.s32 $0x100, s18  }
0x108: {  	s25 =	sand.u32 $0x380, s21;
	v11 =	vld [tilespmem:s18+$0xFFFFFF80];
	s24 =	sadd.s32 $0x9180, s24;
	p0 =	slt.u32 s19, $0x46;
	[tilespmem:s17+$0x400] =	vst v9;
	v4 =	vmul.f32 v4, v3  }
0x109: {  	s26 =	sadd.s32 $0xFFFFFF80, s21;
	v9 =	vld [tilespmem:s18+$0x0];
	s25 =	sadd.s32 s25, s24;
	[tilespmem:s17+$0x410] =	vst v6;
	v5 =	vmul.f32 v5, v3  }
0x10a: {  	s26 =	sand.u32 $0x300, s26;
	v6 =	vld [tilespmem:s25+$0x470];
	[tilespmem:s17+$0x420] =	vst v4;
	v4 =	vmul.f32 v7, v3  }
0x10b: {  	s24 =	sadd.s32 s26, s24;
	v7 =	vld [tilespmem:s25+$0x0];
	[tilespmem:s17+$0x430] =	vst v5;
	v5 =	vmul.f32 v8, v3  }
0x10c: {  	v8 =	vld [tilespmem:s24+$0x0];
	[tilespmem:s17+$0x440] =	vst v4;
	v10 =	vmul.f32 v10, v3  }
0x10d: {  	v4 =	vld [tilespmem:s24+$0x10];
	[tilespmem:s17+$0x450] =	vst v5  }
0x10e: {  	v5 =	vld [tilespmem:s24+$0x20];
	[tilespmem:s17+$0x460] =	vst v10;
	v3 =	vmov v9;
	s17 =	smov.u32 s25  }
0x10f: {  	v9 =	vld [tilespmem:s24+$0x30];
	v6 =	vmul.f32 v6, v3  }
0x110: {  	v10 =	vld [tilespmem:s24+$0x40];
	v7 =	vmul.f32 v7, v3  }
0x111: {  	v8 =	vmul.f32 v8, v11;
	v12 =	vld [tilespmem:s24+$0x50];
	[tilespmem:s17+$0x470] =	vst v6  }
0x112: {  	v4 =	vmul.f32 v4, v11;
	v6 =	vld [tilespmem:s24+$0x60];
	[tilespmem:s17+$0x0] =	vst v7  }
0x113: {  	[tilespmem:s24+$0x0] =	vst v8;
	v5 =	vmul.f32 v5, v11;
	v7 =	vld [tilespmem:s24+$0x70]  }
0x114: {  	[tilespmem:s24+$0x10] =	vst v4;
	v4 =	vmul.f32 v9, v11;
	v8 =	vld [tilespmem:s24+$0x400]  }
0x115: {  	[tilespmem:s24+$0x20] =	vst v5;
	v5 =	vmul.f32 v10, v11;
	v9 =	vld [tilespmem:s24+$0x410]  }
0x116: {  	[tilespmem:s24+$0x30] =	vst v4;
	v4 =	vmul.f32 v12, v11;
	v10 =	vld [tilespmem:s24+$0x420]  }
0x117: {  	[tilespmem:s24+$0x40] =	vst v5;
	v5 =	vmul.f32 v6, v11;
	v6 =	vld [tilespmem:s24+$0x430]  }
0x118: {  	[tilespmem:s24+$0x50] =	vst v4;
	v4 =	vmul.f32 v7, v11;
	v7 =	vld [tilespmem:s24+$0x440]  }
0x119: {  	[tilespmem:s24+$0x60] =	vst v5;
	v5 =	vmul.f32 v8, v11;
	v8 =	vld [tilespmem:s24+$0x450]  }
0x11a: {  	[tilespmem:s24+$0x70] =	vst v4;
	v4 =	vmul.f32 v9, v11;
	v9 =	vld [tilespmem:s24+$0x460]  }
0x11b: {  	[tilespmem:s24+$0x400] =	vst v5;
	v5 =	vmul.f32 v10, v11;
	v10 =	vld [tilespmem:s24+$0x470]  }
0x11c: {  	[tilespmem:s24+$0x410] =	vst v4;
	v4 =	vmul.f32 v6, v11;
	v6 =	vld [tilespmem:s17+$0x10]  }
0x11d: {  	[tilespmem:s24+$0x420] =	vst v5;
	v5 =	vmul.f32 v7, v11;
	v7 =	vld [tilespmem:s17+$0x20]  }
0x11e: {  	[tilespmem:s24+$0x430] =	vst v4;
	v4 =	vmul.f32 v8, v11;
	v8 =	vld [tilespmem:s17+$0x30]  }
0x11f: {  	[tilespmem:s24+$0x440] =	vst v5;
	v5 =	vmul.f32 v9, v11;
	v9 =	vld [tilespmem:s17+$0x40]  }
0x120: {  	[tilespmem:s24+$0x450] =	vst v4;
	v4 =	vmul.f32 v10, v11;
	v10 =	vld [tilespmem:s17+$0x50]  }
0x121: {  	[tilespmem:s24+$0x460] =	vst v5;
	v5 =	vmul.f32 v6, v3;
	v11 =	vld [tilespmem:s17+$0x60]  }
0x122: {  	[tilespmem:s24+$0x470] =	vst v4;
	v4 =	vmul.f32 v7, v3;
	v7 =	vld [tilespmem:s17+$0x70]  }
0x123: {  	[tilespmem:s17+$0x10] =	vst v5;
	v5 =	vmul.f32 v8, v3;
	v8 =	vld [tilespmem:s17+$0x400]  }
.Ltmp0:
0x124: {  	[tilespmem:s17+$0x20] =	vst v4;
	v9 =	vmul.f32 v9, v3;
	v6 =	vld [tilespmem:s17+$0x410];
	(pc) =	sbr.rel @p0 .LBB2_2-.Ltmp0, $4  }
0x125: {  	[tilespmem:s17+$0x30] =	vst v5;
	v10 =	vmul.f32 v10, v3;
	v4 =	vld [tilespmem:s17+$0x420]  }
0x126: {  	[tilespmem:s17+$0x40] =	vst v9;
	v9 =	vmul.f32 v11, v3;
	v5 =	vld [tilespmem:s17+$0x430]  }
0x127: {  	[tilespmem:s17+$0x50] =	vst v10;
	v10 =	vmul.f32 v7, v3;
	v7 =	vld [tilespmem:s17+$0x440]  }
0x128: {  	s21 =	sadd.s32 $0x100, s21;
	s23 =	sadd.s32 $0x200, s23;
	[tilespmem:s17+$0x60] =	vst v9;
	v9 =	vmul.f32 v8, v3;
	v8 =	vld [tilespmem:s17+$0x450]  }
0x129: {  	[tilespmem:s17+$0x70] =	vst v10;
	v6 =	vmul.f32 v6, v3;
	v10 =	vld [tilespmem:s17+$0x460]  }
0x12a: {  	[tilespmem:s17+$0x400] =	vst v9;
	v4 =	vmul.f32 v4, v3  }
0x12b: {  	[tilespmem:s17+$0x410] =	vst v6;
	v5 =	vmul.f32 v5, v3  }
0x12c: {  	[tilespmem:s17+$0x420] =	vst v4;
	v4 =	vmul.f32 v7, v3  }
0x12d: {  	[tilespmem:s17+$0x430] =	vst v5;
	v5 =	vmul.f32 v8, v3  }
0x12e: {  	[tilespmem:s17+$0x440] =	vst v4;
	v3 =	vmul.f32 v10, v3  }
0x12f: {  	[tilespmem:s17+$0x450] =	vst v5  }
0x130: {  	[tilespmem:s17+$0x460] =	vst v3  }
0x131: {  	[hbm4b:s6+s3] =	stream.linear.scatter [tilespmem:s13], [sflag:$0x5], $0x4800, $0x38;
	[tilespmem:$0x1B180] =	vst v63  }
0x132: {  	_ =	swait.ge [sflag:s0], $0x4800  }
0x133: {  	s24 =	simm.s32 $0x4800;
	s19 =	simm.s32 $0x2480;
	[sflag:s0] =	ssyncset.done $0x0  }
0x134: {  	s18 =	simm.s32 $0x2600;
	s17 =	sand.u32 $0xF800, s24;
	[sflag:s0] =	ssyncadd.s32 $0xFFFFB800  }
0x135: {  	s25 =	sand.u32 $0x380, s19;
	s21 =	sadd.s32 $0x9180, s17;
	v7 =	vld [tilespmem:s18+$0xFFFFFF80]  }
0x136: {  	s26 =	simm.s32 $0x2400;
	s17 =	sadd.s32 s25, s21;
	v3 =	vld [tilespmem:s18+$0x0]  }
0x137: {  	s19 =	sand.u32 $0x300, s26;
	v4 =	vld [tilespmem:s17+$0x470]  }
0x138: {  	s21 =	sadd.s32 s19, s21;
	v5 =	vld [tilespmem:s17+$0x0]  }
0x139: {  	v6 =	vld [tilespmem:s21+$0x0]  }
0x13a: {  	v8 =	vld [tilespmem:s21+$0x10]  }
0x13b: {  	v15 =	vld [tilespmem:s17+$0x40]  }
0x13c: {  	v9 =	vld [tilespmem:s21+$0x20];
	v4 =	vmul.f32 v4, v3  }
0x13d: {  	v10 =	vld [tilespmem:s21+$0x30];
	v5 =	vmul.f32 v5, v3  }
0x13e: {  	v11 =	vld [tilespmem:s21+$0x40];
	v6 =	vmul.f32 v6, v7;
	[tilespmem:s17+$0x470] =	vst v4  }
0x13f: {  	v12 =	vld [tilespmem:s21+$0x50];
	v8 =	vmul.f32 v8, v7;
	[tilespmem:s17+$0x0] =	vst v5  }
0x140: {  	v13 =	vld [tilespmem:s21+$0x60];
	v62 =	vmul.f32 v15, v3;
	[tilespmem:s21+$0x0] =	vst v6  }
0x141: {  	v14 =	vld [tilespmem:s21+$0x70];
	v6 =	vmul.f32 v9, v7;
	[tilespmem:s21+$0x10] =	vst v8  }
0x142: {  	v59 =	vld [tilespmem:s17+$0x30];
	v8 =	vmul.f32 v10, v7;
	[tilespmem:s17+$0x40] =	vst v62  }
0x143: {  	v4 =	vld [tilespmem:s21+$0x400];
	[tilespmem:s21+$0x20] =	vst v6;
	v6 =	vmul.f32 v11, v7  }
0x144: {  	v10 =	vld [tilespmem:s21+$0x430];
	[tilespmem:s21+$0x30] =	vst v8;
	v8 =	vmul.f32 v12, v7  }
0x145: {  	v5 =	vld [tilespmem:s21+$0x410];
	[tilespmem:s21+$0x40] =	vst v6;
	v6 =	vmul.f32 v13, v7  }
0x146: {  	v57 =	vld [tilespmem:s17+$0x10];
	[tilespmem:s21+$0x50] =	vst v8;
	v8 =	vmul.f32 v14, v7  }
0x147: {  	v58 =	vld [tilespmem:s17+$0x20];
	v14 =	vmul.f32 v59, v3;
	[tilespmem:s21+$0x60] =	vst v6  }
0x148: {  	v9 =	vld [tilespmem:s21+$0x420];
	v4 =	vmul.f32 v4, v7;
	[tilespmem:s21+$0x70] =	vst v8  }
0x149: {  	v11 =	vld [tilespmem:s21+$0x440];
	v10 =	vmul.f32 v10, v7;
	[tilespmem:s17+$0x30] =	vst v14  }
0x14a: {  	v5 =	vmul.f32 v5, v7;
	v8 =	vld [tilespmem:s17+$0x50];
	[tilespmem:s21+$0x400] =	vst v4  }
0x14b: {  	v4 =	vmul.f32 v57, v3;
	[tilespmem:s21+$0x430] =	vst v10;
	v10 =	vld [tilespmem:s21+$0x470]  }
0x14c: {  	v60 =	vld [tilespmem:s17+$0x60];
	[tilespmem:s21+$0x410] =	vst v5;
	v5 =	vmul.f32 v58, v3  }
0x14d: {  	v6 =	vmul.f32 v9, v7;
	[tilespmem:s17+$0x10] =	vst v4;
	v4 =	vld [tilespmem:s21+$0x450]  }
0x14e: {  	v11 =	vmul.f32 v11, v7;
	[tilespmem:s17+$0x20] =	vst v5;
	v5 =	vld [tilespmem:s21+$0x460]  }
0x14f: {  	v9 =	vld [tilespmem:s17+$0x70];
	[tilespmem:s21+$0x420] =	vst v6;
	v8 =	vmul.f32 v8, v3  }
0x150: {  	v61 =	vld [tilespmem:s17+$0x400];
	[tilespmem:s21+$0x440] =	vst v11;
	v10 =	vmul.f32 v10, v7  }
0x151: {  	v6 =	vld [tilespmem:s17+$0x410];
	[tilespmem:s17+$0x50] =	vst v8;
	v8 =	vmul.f32 v60, v3  }
0x152: {  	v63 =	vmul.f32 v4, v7;
	v4 =	vld [tilespmem:s17+$0x420];
	[tilespmem:s21+$0x470] =	vst v10  }
0x153: {  	v11 =	vmul.f32 v5, v7;
	v5 =	vld [tilespmem:s17+$0x430];
	[tilespmem:s17+$0x60] =	vst v8  }
0x154: {  	v7 =	vld [tilespmem:s17+$0x440];
	v10 =	vmul.f32 v9, v3;
	[tilespmem:s21+$0x450] =	vst v63  }
0x155: {  	s23 =	simm.s32 $0x4A00;
	s19 =	simm.s32 $0x48;
	v9 =	vmul.f32 v61, v3;
	v8 =	vld [tilespmem:s17+$0x450];
	[tilespmem:s21+$0x460] =	vst v11;
	s21 =	simm.s32 $0x2580  }
.LBB2_4:
0x156: {  	s24 =	sand.u32 $0xF800, s23;
	s19 =	sadd.s32 $0x2, s19;
	[tilespmem:s17+$0x70] =	vst v10;
	v6 =	vmul.f32 v6, v3;
	v10 =	vld [tilespmem:s17+$0x460];
	s18 =	sadd.s32 $0x100, s18  }
0x157: {  	s25 =	sand.u32 $0x380, s21;
	v11 =	vld [tilespmem:s18+$0xFFFFFF80];
	s24 =	sadd.s32 $0x9180, s24;
	p0 =	slt.u32 s19, $0x8E;
	[tilespmem:s17+$0x400] =	vst v9;
	v4 =	vmul.f32 v4, v3  }
0x158: {  	s26 =	sadd.s32 $0xFFFFFF80, s21;
	v9 =	vld [tilespmem:s18+$0x0];
	s25 =	sadd.s32 s25, s24;
	[tilespmem:s17+$0x410] =	vst v6;
	v5 =	vmul.f32 v5, v3  }
0x159: {  	s26 =	sand.u32 $0x300, s26;
	v6 =	vld [tilespmem:s25+$0x470];
	[tilespmem:s17+$0x420] =	vst v4;
	v4 =	vmul.f32 v7, v3  }
0x15a: {  	s24 =	sadd.s32 s26, s24;
	v7 =	vld [tilespmem:s25+$0x0];
	[tilespmem:s17+$0x430] =	vst v5;
	v5 =	vmul.f32 v8, v3  }
0x15b: {  	v8 =	vld [tilespmem:s24+$0x0];
	[tilespmem:s17+$0x440] =	vst v4;
	v10 =	vmul.f32 v10, v3  }
0x15c: {  	v4 =	vld [tilespmem:s24+$0x10];
	[tilespmem:s17+$0x450] =	vst v5  }
0x15d: {  	v5 =	vld [tilespmem:s24+$0x20];
	[tilespmem:s17+$0x460] =	vst v10;
	v3 =	vmov v9;
	s17 =	smov.u32 s25  }
0x15e: {  	v9 =	vld [tilespmem:s24+$0x30];
	v6 =	vmul.f32 v6, v3  }
0x15f: {  	v10 =	vld [tilespmem:s24+$0x40];
	v7 =	vmul.f32 v7, v3  }
0x160: {  	v8 =	vmul.f32 v8, v11;
	v12 =	vld [tilespmem:s24+$0x50];
	[tilespmem:s17+$0x470] =	vst v6  }
0x161: {  	v4 =	vmul.f32 v4, v11;
	v6 =	vld [tilespmem:s24+$0x60];
	[tilespmem:s17+$0x0] =	vst v7  }
0x162: {  	[tilespmem:s24+$0x0] =	vst v8;
	v5 =	vmul.f32 v5, v11;
	v7 =	vld [tilespmem:s24+$0x70]  }
0x163: {  	[tilespmem:s24+$0x10] =	vst v4;
	v4 =	vmul.f32 v9, v11;
	v8 =	vld [tilespmem:s24+$0x400]  }
0x164: {  	[tilespmem:s24+$0x20] =	vst v5;
	v5 =	vmul.f32 v10, v11;
	v9 =	vld [tilespmem:s24+$0x410]  }
0x165: {  	[tilespmem:s24+$0x30] =	vst v4;
	v4 =	vmul.f32 v12, v11;
	v10 =	vld [tilespmem:s24+$0x420]  }
0x166: {  	[tilespmem:s24+$0x40] =	vst v5;
	v5 =	vmul.f32 v6, v11;
	v6 =	vld [tilespmem:s24+$0x430]  }
0x167: {  	[tilespmem:s24+$0x50] =	vst v4;
	v4 =	vmul.f32 v7, v11;
	v7 =	vld [tilespmem:s24+$0x440]  }
0x168: {  	[tilespmem:s24+$0x60] =	vst v5;
	v5 =	vmul.f32 v8, v11;
	v8 =	vld [tilespmem:s24+$0x450]  }
0x169: {  	[tilespmem:s24+$0x70] =	vst v4;
	v4 =	vmul.f32 v9, v11;
	v9 =	vld [tilespmem:s24+$0x460]  }
0x16a: {  	[tilespmem:s24+$0x400] =	vst v5;
	v5 =	vmul.f32 v10, v11;
	v10 =	vld [tilespmem:s24+$0x470]  }
0x16b: {  	[tilespmem:s24+$0x410] =	vst v4;
	v4 =	vmul.f32 v6, v11;
	v6 =	vld [tilespmem:s17+$0x10]  }
0x16c: {  	[tilespmem:s24+$0x420] =	vst v5;
	v5 =	vmul.f32 v7, v11;
	v7 =	vld [tilespmem:s17+$0x20]  }
0x16d: {  	[tilespmem:s24+$0x430] =	vst v4;
	v4 =	vmul.f32 v8, v11;
	v8 =	vld [tilespmem:s17+$0x30]  }
0x16e: {  	[tilespmem:s24+$0x440] =	vst v5;
	v5 =	vmul.f32 v9, v11;
	v9 =	vld [tilespmem:s17+$0x40]  }
0x16f: {  	[tilespmem:s24+$0x450] =	vst v4;
	v4 =	vmul.f32 v10, v11;
	v10 =	vld [tilespmem:s17+$0x50]  }
0x170: {  	[tilespmem:s24+$0x460] =	vst v5;
	v5 =	vmul.f32 v6, v3;
	v11 =	vld [tilespmem:s17+$0x60]  }
0x171: {  	[tilespmem:s24+$0x470] =	vst v4;
	v4 =	vmul.f32 v7, v3;
	v7 =	vld [tilespmem:s17+$0x70]  }
0x172: {  	[tilespmem:s17+$0x10] =	vst v5;
	v5 =	vmul.f32 v8, v3;
	v8 =	vld [tilespmem:s17+$0x400]  }
.Ltmp1:
0x173: {  	[tilespmem:s17+$0x20] =	vst v4;
	v9 =	vmul.f32 v9, v3;
	v6 =	vld [tilespmem:s17+$0x410];
	(pc) =	sbr.rel @p0 .LBB2_4-.Ltmp1, $4  }
0x174: {  	[tilespmem:s17+$0x30] =	vst v5;
	v10 =	vmul.f32 v10, v3;
	v4 =	vld [tilespmem:s17+$0x420]  }
0x175: {  	[tilespmem:s17+$0x40] =	vst v9;
	v9 =	vmul.f32 v11, v3;
	v5 =	vld [tilespmem:s17+$0x430]  }
0x176: {  	[tilespmem:s17+$0x50] =	vst v10;
	v10 =	vmul.f32 v7, v3;
	v7 =	vld [tilespmem:s17+$0x440]  }
0x177: {  	s21 =	sadd.s32 $0x100, s21;
	s23 =	sadd.s32 $0x200, s23;
	[tilespmem:s17+$0x60] =	vst v9;
	v9 =	vmul.f32 v8, v3;
	v8 =	vld [tilespmem:s17+$0x450]  }
0x178: {  	[tilespmem:s17+$0x70] =	vst v10;
	v6 =	vmul.f32 v6, v3;
	v10 =	vld [tilespmem:s17+$0x460]  }
0x179: {  	[tilespmem:s17+$0x400] =	vst v9;
	v4 =	vmul.f32 v4, v3  }
0x17a: {  	[tilespmem:s17+$0x410] =	vst v6;
	v5 =	vmul.f32 v5, v3  }
0x17b: {  	[tilespmem:s17+$0x420] =	vst v4;
	v4 =	vmul.f32 v7, v3  }
0x17c: {  	[tilespmem:s17+$0x430] =	vst v5;
	v5 =	vmul.f32 v8, v3  }
0x17d: {  	[tilespmem:s17+$0x440] =	vst v4;
	v3 =	vmul.f32 v10, v3  }
0x17e: {  	[tilespmem:s17+$0x450] =	vst v5  }
0x17f: {  	[tilespmem:s17+$0x460] =	vst v3  }
0x180: {  	[hbm4b:s7+s3] =	stream.linear.scatter [tilespmem:s22], [sflag:$0x5], $0x4800, $0x38;
	[tilespmem:$0x1B180] =	vst v63  }
0x181: {  	_ =	swait.ge [sflag:s12], $0x4800  }
0x182: {  	s24 =	simm.s32 $0x9000;
	s19 =	simm.s32 $0x4880;
	[sflag:s12] =	ssyncset.done $0x0  }
0x183: {  	s18 =	simm.s32 $0x4A00;
	s17 =	sand.u32 $0xF800, s24;
	[sflag:s12] =	ssyncadd.s32 $0xFFFFB800  }
0x184: {  	s25 =	sand.u32 $0x380, s19;
	s21 =	sadd.s32 $0x9180, s17;
	v7 =	vld [tilespmem:s18+$0xFFFFFF80]  }
0x185: {  	s26 =	simm.s32 $0x4800;
	s17 =	sadd.s32 s25, s21;
	v3 =	vld [tilespmem:s18+$0x0]  }
0x186: {  	s19 =	sand.u32 $0x300, s26;
	v4 =	vld [tilespmem:s17+$0x470]  }
0x187: {  	s21 =	sadd.s32 s19, s21;
	v5 =	vld [tilespmem:s17+$0x0]  }
0x188: {  	v6 =	vld [tilespmem:s21+$0x0]  }
0x189: {  	v8 =	vld [tilespmem:s21+$0x10]  }
0x18a: {  	v15 =	vld [tilespmem:s17+$0x40]  }
0x18b: {  	v9 =	vld [tilespmem:s21+$0x20];
	v4 =	vmul.f32 v4, v3  }
0x18c: {  	v10 =	vld [tilespmem:s21+$0x30];
	v5 =	vmul.f32 v5, v3  }
0x18d: {  	v11 =	vld [tilespmem:s21+$0x40];
	v6 =	vmul.f32 v6, v7;
	[tilespmem:s17+$0x470] =	vst v4  }
0x18e: {  	v12 =	vld [tilespmem:s21+$0x50];
	v8 =	vmul.f32 v8, v7;
	[tilespmem:s17+$0x0] =	vst v5  }
0x18f: {  	v13 =	vld [tilespmem:s21+$0x60];
	v62 =	vmul.f32 v15, v3;
	[tilespmem:s21+$0x0] =	vst v6  }
0x190: {  	v14 =	vld [tilespmem:s21+$0x70];
	v6 =	vmul.f32 v9, v7;
	[tilespmem:s21+$0x10] =	vst v8  }
0x191: {  	v59 =	vld [tilespmem:s17+$0x30];
	v8 =	vmul.f32 v10, v7;
	[tilespmem:s17+$0x40] =	vst v62  }
0x192: {  	v4 =	vld [tilespmem:s21+$0x400];
	[tilespmem:s21+$0x20] =	vst v6;
	v6 =	vmul.f32 v11, v7  }
0x193: {  	v10 =	vld [tilespmem:s21+$0x430];
	[tilespmem:s21+$0x30] =	vst v8;
	v8 =	vmul.f32 v12, v7  }
0x194: {  	v5 =	vld [tilespmem:s21+$0x410];
	[tilespmem:s21+$0x40] =	vst v6;
	v6 =	vmul.f32 v13, v7  }
0x195: {  	v57 =	vld [tilespmem:s17+$0x10];
	[tilespmem:s21+$0x50] =	vst v8;
	v8 =	vmul.f32 v14, v7  }
0x196: {  	v58 =	vld [tilespmem:s17+$0x20];
	v14 =	vmul.f32 v59, v3;
	[tilespmem:s21+$0x60] =	vst v6  }
0x197: {  	v9 =	vld [tilespmem:s21+$0x420];
	v4 =	vmul.f32 v4, v7;
	[tilespmem:s21+$0x70] =	vst v8  }
0x198: {  	v11 =	vld [tilespmem:s21+$0x440];
	v10 =	vmul.f32 v10, v7;
	[tilespmem:s17+$0x30] =	vst v14  }
0x199: {  	v5 =	vmul.f32 v5, v7;
	v8 =	vld [tilespmem:s17+$0x50];
	[tilespmem:s21+$0x400] =	vst v4  }
0x19a: {  	v4 =	vmul.f32 v57, v3;
	[tilespmem:s21+$0x430] =	vst v10;
	v10 =	vld [tilespmem:s21+$0x470]  }
0x19b: {  	v60 =	vld [tilespmem:s17+$0x60];
	[tilespmem:s21+$0x410] =	vst v5;
	v5 =	vmul.f32 v58, v3  }
0x19c: {  	v6 =	vmul.f32 v9, v7;
	[tilespmem:s17+$0x10] =	vst v4;
	v4 =	vld [tilespmem:s21+$0x450]  }
0x19d: {  	v11 =	vmul.f32 v11, v7;
	[tilespmem:s17+$0x20] =	vst v5;
	v5 =	vld [tilespmem:s21+$0x460]  }
0x19e: {  	v9 =	vld [tilespmem:s17+$0x70];
	[tilespmem:s21+$0x420] =	vst v6;
	v8 =	vmul.f32 v8, v3  }
0x19f: {  	v61 =	vld [tilespmem:s17+$0x400];
	[tilespmem:s21+$0x440] =	vst v11;
	v10 =	vmul.f32 v10, v7  }
0x1a0: {  	v6 =	vld [tilespmem:s17+$0x410];
	[tilespmem:s17+$0x50] =	vst v8;
	v8 =	vmul.f32 v60, v3  }
0x1a1: {  	v63 =	vmul.f32 v4, v7;
	v4 =	vld [tilespmem:s17+$0x420];
	[tilespmem:s21+$0x470] =	vst v10  }
0x1a2: {  	v11 =	vmul.f32 v5, v7;
	v5 =	vld [tilespmem:s17+$0x430];
	[tilespmem:s17+$0x60] =	vst v8  }
0x1a3: {  	v7 =	vld [tilespmem:s17+$0x440];
	v10 =	vmul.f32 v9, v3;
	[tilespmem:s21+$0x450] =	vst v63  }
0x1a4: {  	s23 =	simm.s32 $0x9200;
	s19 =	simm.s32 $0x90;
	v9 =	vmul.f32 v61, v3;
	v8 =	vld [tilespmem:s17+$0x450];
	[tilespmem:s21+$0x460] =	vst v11;
	s21 =	simm.s32 $0x4980  }
.LBB2_6:
0x1a5: {  	s24 =	sand.u32 $0xF800, s23;
	s19 =	sadd.s32 $0x2, s19;
	[tilespmem:s17+$0x70] =	vst v10;
	v6 =	vmul.f32 v6, v3;
	v10 =	vld [tilespmem:s17+$0x460];
	s18 =	sadd.s32 $0x100, s18  }
0x1a6: {  	s25 =	sand.u32 $0x380, s21;
	v11 =	vld [tilespmem:s18+$0xFFFFFF80];
	s24 =	sadd.s32 $0x9180, s24;
	p0 =	slt.u32 s19, $0xD6;
	[tilespmem:s17+$0x400] =	vst v9;
	v4 =	vmul.f32 v4, v3  }
0x1a7: {  	s26 =	sadd.s32 $0xFFFFFF80, s21;
	v9 =	vld [tilespmem:s18+$0x0];
	s25 =	sadd.s32 s25, s24;
	[tilespmem:s17+$0x410] =	vst v6;
	v5 =	vmul.f32 v5, v3  }
0x1a8: {  	s26 =	sand.u32 $0x300, s26;
	v6 =	vld [tilespmem:s25+$0x470];
	[tilespmem:s17+$0x420] =	vst v4;
	v4 =	vmul.f32 v7, v3  }
0x1a9: {  	s24 =	sadd.s32 s26, s24;
	v7 =	vld [tilespmem:s25+$0x0];
	[tilespmem:s17+$0x430] =	vst v5;
	v5 =	vmul.f32 v8, v3  }
0x1aa: {  	v8 =	vld [tilespmem:s24+$0x0];
	[tilespmem:s17+$0x440] =	vst v4;
	v10 =	vmul.f32 v10, v3  }
0x1ab: {  	v4 =	vld [tilespmem:s24+$0x10];
	[tilespmem:s17+$0x450] =	vst v5  }
0x1ac: {  	v5 =	vld [tilespmem:s24+$0x20];
	[tilespmem:s17+$0x460] =	vst v10;
	v3 =	vmov v9;
	s17 =	smov.u32 s25  }
0x1ad: {  	v9 =	vld [tilespmem:s24+$0x30];
	v6 =	vmul.f32 v6, v3  }
0x1ae: {  	v10 =	vld [tilespmem:s24+$0x40];
	v7 =	vmul.f32 v7, v3  }
0x1af: {  	v8 =	vmul.f32 v8, v11;
	v12 =	vld [tilespmem:s24+$0x50];
	[tilespmem:s17+$0x470] =	vst v6  }
0x1b0: {  	v4 =	vmul.f32 v4, v11;
	v6 =	vld [tilespmem:s24+$0x60];
	[tilespmem:s17+$0x0] =	vst v7  }
0x1b1: {  	[tilespmem:s24+$0x0] =	vst v8;
	v5 =	vmul.f32 v5, v11;
	v7 =	vld [tilespmem:s24+$0x70]  }
0x1b2: {  	[tilespmem:s24+$0x10] =	vst v4;
	v4 =	vmul.f32 v9, v11;
	v8 =	vld [tilespmem:s24+$0x400]  }
0x1b3: {  	[tilespmem:s24+$0x20] =	vst v5;
	v5 =	vmul.f32 v10, v11;
	v9 =	vld [tilespmem:s24+$0x410]  }
0x1b4: {  	[tilespmem:s24+$0x30] =	vst v4;
	v4 =	vmul.f32 v12, v11;
	v10 =	vld [tilespmem:s24+$0x420]  }
0x1b5: {  	[tilespmem:s24+$0x40] =	vst v5;
	v5 =	vmul.f32 v6, v11;
	v6 =	vld [tilespmem:s24+$0x430]  }
0x1b6: {  	[tilespmem:s24+$0x50] =	vst v4;
	v4 =	vmul.f32 v7, v11;
	v7 =	vld [tilespmem:s24+$0x440]  }
0x1b7: {  	[tilespmem:s24+$0x60] =	vst v5;
	v5 =	vmul.f32 v8, v11;
	v8 =	vld [tilespmem:s24+$0x450]  }
0x1b8: {  	[tilespmem:s24+$0x70] =	vst v4;
	v4 =	vmul.f32 v9, v11;
	v9 =	vld [tilespmem:s24+$0x460]  }
0x1b9: {  	[tilespmem:s24+$0x400] =	vst v5;
	v5 =	vmul.f32 v10, v11;
	v10 =	vld [tilespmem:s24+$0x470]  }
0x1ba: {  	[tilespmem:s24+$0x410] =	vst v4;
	v4 =	vmul.f32 v6, v11;
	v6 =	vld [tilespmem:s17+$0x10]  }
0x1bb: {  	[tilespmem:s24+$0x420] =	vst v5;
	v5 =	vmul.f32 v7, v11;
	v7 =	vld [tilespmem:s17+$0x20]  }
0x1bc: {  	[tilespmem:s24+$0x430] =	vst v4;
	v4 =	vmul.f32 v8, v11;
	v8 =	vld [tilespmem:s17+$0x30]  }
0x1bd: {  	[tilespmem:s24+$0x440] =	vst v5;
	v5 =	vmul.f32 v9, v11;
	v9 =	vld [tilespmem:s17+$0x40]  }
0x1be: {  	[tilespmem:s24+$0x450] =	vst v4;
	v4 =	vmul.f32 v10, v11;
	v10 =	vld [tilespmem:s17+$0x50]  }
0x1bf: {  	[tilespmem:s24+$0x460] =	vst v5;
	v5 =	vmul.f32 v6, v3;
	v11 =	vld [tilespmem:s17+$0x60]  }
0x1c0: {  	[tilespmem:s24+$0x470] =	vst v4;
	v4 =	vmul.f32 v7, v3;
	v7 =	vld [tilespmem:s17+$0x70]  }
0x1c1: {  	[tilespmem:s17+$0x10] =	vst v5;
	v5 =	vmul.f32 v8, v3;
	v8 =	vld [tilespmem:s17+$0x400]  }
.Ltmp2:
0x1c2: {  	[tilespmem:s17+$0x20] =	vst v4;
	v9 =	vmul.f32 v9, v3;
	v6 =	vld [tilespmem:s17+$0x410];
	(pc) =	sbr.rel @p0 .LBB2_6-.Ltmp2, $4  }
0x1c3: {  	[tilespmem:s17+$0x30] =	vst v5;
	v10 =	vmul.f32 v10, v3;
	v4 =	vld [tilespmem:s17+$0x420]  }
0x1c4: {  	[tilespmem:s17+$0x40] =	vst v9;
	v9 =	vmul.f32 v11, v3;
	v5 =	vld [tilespmem:s17+$0x430]  }
0x1c5: {  	[tilespmem:s17+$0x50] =	vst v10;
	v10 =	vmul.f32 v7, v3;
	v7 =	vld [tilespmem:s17+$0x440]  }
0x1c6: {  	s21 =	sadd.s32 $0x100, s21;
	s23 =	sadd.s32 $0x200, s23;
	[tilespmem:s17+$0x60] =	vst v9;
	v9 =	vmul.f32 v8, v3;
	v8 =	vld [tilespmem:s17+$0x450]  }
0x1c7: {  	[tilespmem:s17+$0x70] =	vst v10;
	v6 =	vmul.f32 v6, v3;
	v10 =	vld [tilespmem:s17+$0x460]  }
0x1c8: {  	[tilespmem:s17+$0x400] =	vst v9;
	v4 =	vmul.f32 v4, v3  }
0x1c9: {  	[tilespmem:s17+$0x410] =	vst v6;
	v5 =	vmul.f32 v5, v3  }
0x1ca: {  	[tilespmem:s17+$0x420] =	vst v4;
	v4 =	vmul.f32 v7, v3  }
0x1cb: {  	[tilespmem:s17+$0x430] =	vst v5;
	v5 =	vmul.f32 v8, v3  }
0x1cc: {  	[tilespmem:s17+$0x440] =	vst v4;
	v3 =	vmul.f32 v10, v3  }
0x1cd: {  	[tilespmem:s17+$0x450] =	vst v5  }
0x1ce: {  	[tilespmem:s17+$0x460] =	vst v3  }
0x1cf: {  	[hbm4b:s8+s3] =	stream.linear.scatter [tilespmem:s2], [sflag:$0x5], $0x4800, $0x38;
	[tilespmem:$0x1B180] =	vst v63  }
0x1d0: {  	_ =	swait.ge [sflag:s14], $0x4800  }
0x1d1: {  	s24 =	simm.s32 $0xD800;
	s19 =	simm.s32 $0x6C80;
	[sflag:s14] =	ssyncset.done $0x0  }
0x1d2: {  	s18 =	simm.s32 $0x6E00;
	s17 =	sand.u32 $0x1F800, s24;
	[sflag:s14] =	ssyncadd.s32 $0xFFFFB800  }
0x1d3: {  	s25 =	sand.u32 $0x380, s19;
	s21 =	sadd.s32 $0x9180, s17;
	v7 =	vld [tilespmem:s18+$0xFFFFFF80]  }
0x1d4: {  	s26 =	simm.s32 $0x6C00;
	s17 =	sadd.s32 s25, s21;
	v3 =	vld [tilespmem:s18+$0x0]  }
0x1d5: {  	s19 =	sand.u32 $0x300, s26;
	v4 =	vld [tilespmem:s17+$0x470]  }
0x1d6: {  	s21 =	sadd.s32 s19, s21;
	v5 =	vld [tilespmem:s17+$0x0]  }
0x1d7: {  	v6 =	vld [tilespmem:s21+$0x0]  }
0x1d8: {  	v8 =	vld [tilespmem:s21+$0x10]  }
0x1d9: {  	v15 =	vld [tilespmem:s17+$0x40]  }
0x1da: {  	v9 =	vld [tilespmem:s21+$0x20];
	v4 =	vmul.f32 v4, v3  }
0x1db: {  	v10 =	vld [tilespmem:s21+$0x30];
	v5 =	vmul.f32 v5, v3  }
0x1dc: {  	v11 =	vld [tilespmem:s21+$0x40];
	v6 =	vmul.f32 v6, v7;
	[tilespmem:s17+$0x470] =	vst v4  }
0x1dd: {  	v12 =	vld [tilespmem:s21+$0x50];
	v8 =	vmul.f32 v8, v7;
	[tilespmem:s17+$0x0] =	vst v5  }
0x1de: {  	v13 =	vld [tilespmem:s21+$0x60];
	v62 =	vmul.f32 v15, v3;
	[tilespmem:s21+$0x0] =	vst v6  }
0x1df: {  	v14 =	vld [tilespmem:s21+$0x70];
	v6 =	vmul.f32 v9, v7;
	[tilespmem:s21+$0x10] =	vst v8  }
0x1e0: {  	v59 =	vld [tilespmem:s17+$0x30];
	v8 =	vmul.f32 v10, v7;
	[tilespmem:s17+$0x40] =	vst v62  }
0x1e1: {  	v4 =	vld [tilespmem:s21+$0x400];
	[tilespmem:s21+$0x20] =	vst v6;
	v6 =	vmul.f32 v11, v7  }
0x1e2: {  	v10 =	vld [tilespmem:s21+$0x430];
	[tilespmem:s21+$0x30] =	vst v8;
	v8 =	vmul.f32 v12, v7  }
0x1e3: {  	v5 =	vld [tilespmem:s21+$0x410];
	[tilespmem:s21+$0x40] =	vst v6;
	v6 =	vmul.f32 v13, v7  }
0x1e4: {  	v57 =	vld [tilespmem:s17+$0x10];
	[tilespmem:s21+$0x50] =	vst v8;
	v8 =	vmul.f32 v14, v7  }
0x1e5: {  	v58 =	vld [tilespmem:s17+$0x20];
	v14 =	vmul.f32 v59, v3;
	[tilespmem:s21+$0x60] =	vst v6  }
0x1e6: {  	v9 =	vld [tilespmem:s21+$0x420];
	v4 =	vmul.f32 v4, v7;
	[tilespmem:s21+$0x70] =	vst v8  }
0x1e7: {  	v11 =	vld [tilespmem:s21+$0x440];
	v10 =	vmul.f32 v10, v7;
	[tilespmem:s17+$0x30] =	vst v14  }
0x1e8: {  	v5 =	vmul.f32 v5, v7;
	v8 =	vld [tilespmem:s17+$0x50];
	[tilespmem:s21+$0x400] =	vst v4  }
0x1e9: {  	v4 =	vmul.f32 v57, v3;
	[tilespmem:s21+$0x430] =	vst v10;
	v10 =	vld [tilespmem:s21+$0x470]  }
0x1ea: {  	v60 =	vld [tilespmem:s17+$0x60];
	[tilespmem:s21+$0x410] =	vst v5;
	v5 =	vmul.f32 v58, v3  }
0x1eb: {  	v6 =	vmul.f32 v9, v7;
	[tilespmem:s17+$0x10] =	vst v4;
	v4 =	vld [tilespmem:s21+$0x450]  }
0x1ec: {  	v11 =	vmul.f32 v11, v7;
	[tilespmem:s17+$0x20] =	vst v5;
	v5 =	vld [tilespmem:s21+$0x460]  }
0x1ed: {  	v9 =	vld [tilespmem:s17+$0x70];
	[tilespmem:s21+$0x420] =	vst v6;
	v8 =	vmul.f32 v8, v3  }
0x1ee: {  	v61 =	vld [tilespmem:s17+$0x400];
	[tilespmem:s21+$0x440] =	vst v11;
	v10 =	vmul.f32 v10, v7  }
0x1ef: {  	v6 =	vld [tilespmem:s17+$0x410];
	[tilespmem:s17+$0x50] =	vst v8;
	v8 =	vmul.f32 v60, v3  }
0x1f0: {  	v63 =	vmul.f32 v4, v7;
	v4 =	vld [tilespmem:s17+$0x420];
	[tilespmem:s21+$0x470] =	vst v10  }
0x1f1: {  	v11 =	vmul.f32 v5, v7;
	v5 =	vld [tilespmem:s17+$0x430];
	[tilespmem:s17+$0x60] =	vst v8  }
0x1f2: {  	v7 =	vld [tilespmem:s17+$0x440];
	v10 =	vmul.f32 v9, v3;
	[tilespmem:s21+$0x450] =	vst v63  }
0x1f3: {  	s23 =	simm.s32 $0xDA00;
	s19 =	simm.s32 $0xD8;
	v9 =	vmul.f32 v61, v3;
	v8 =	vld [tilespmem:s17+$0x450];
	[tilespmem:s21+$0x460] =	vst v11;
	s21 =	simm.s32 $0x6D80  }
.LBB2_8:
0x1f4: {  	s24 =	sand.u32 $0x1F800, s23;
	s19 =	sadd.s32 $0x2, s19;
	[tilespmem:s17+$0x70] =	vst v10;
	v6 =	vmul.f32 v6, v3;
	v10 =	vld [tilespmem:s17+$0x460];
	s18 =	sadd.s32 $0x100, s18  }
0x1f5: {  	s25 =	sand.u32 $0x380, s21;
	v11 =	vld [tilespmem:s18+$0xFFFFFF80];
	s24 =	sadd.s32 $0x9180, s24;
	p0 =	slt.u32 s19, $0x11E;
	[tilespmem:s17+$0x400] =	vst v9;
	v4 =	vmul.f32 v4, v3  }
0x1f6: {  	s26 =	sadd.s32 $0xFFFFFF80, s21;
	v9 =	vld [tilespmem:s18+$0x0];
	s25 =	sadd.s32 s25, s24;
	[tilespmem:s17+$0x410] =	vst v6;
	v5 =	vmul.f32 v5, v3  }
0x1f7: {  	s26 =	sand.u32 $0x300, s26;
	v6 =	vld [tilespmem:s25+$0x470];
	[tilespmem:s17+$0x420] =	vst v4;
	v4 =	vmul.f32 v7, v3  }
0x1f8: {  	s24 =	sadd.s32 s26, s24;
	v7 =	vld [tilespmem:s25+$0x0];
	[tilespmem:s17+$0x430] =	vst v5;
	v5 =	vmul.f32 v8, v3  }
0x1f9: {  	v8 =	vld [tilespmem:s24+$0x0];
	[tilespmem:s17+$0x440] =	vst v4;
	v10 =	vmul.f32 v10, v3  }
0x1fa: {  	v4 =	vld [tilespmem:s24+$0x10];
	[tilespmem:s17+$0x450] =	vst v5  }
0x1fb: {  	v5 =	vld [tilespmem:s24+$0x20];
	[tilespmem:s17+$0x460] =	vst v10;
	v3 =	vmov v9;
	s17 =	smov.u32 s25  }
0x1fc: {  	v9 =	vld [tilespmem:s24+$0x30];
	v6 =	vmul.f32 v6, v3  }
0x1fd: {  	v10 =	vld [tilespmem:s24+$0x40];
	v7 =	vmul.f32 v7, v3  }
0x1fe: {  	v8 =	vmul.f32 v8, v11;
	v12 =	vld [tilespmem:s24+$0x50];
	[tilespmem:s17+$0x470] =	vst v6  }
0x1ff: {  	v4 =	vmul.f32 v4, v11;
	v6 =	vld [tilespmem:s24+$0x60];
	[tilespmem:s17+$0x0] =	vst v7  }
0x200: {  	[tilespmem:s24+$0x0] =	vst v8;
	v5 =	vmul.f32 v5, v11;
	v7 =	vld [tilespmem:s24+$0x70]  }
0x201: {  	[tilespmem:s24+$0x10] =	vst v4;
	v4 =	vmul.f32 v9, v11;
	v8 =	vld [tilespmem:s24+$0x400]  }
0x202: {  	[tilespmem:s24+$0x20] =	vst v5;
	v5 =	vmul.f32 v10, v11;
	v9 =	vld [tilespmem:s24+$0x410]  }
0x203: {  	[tilespmem:s24+$0x30] =	vst v4;
	v4 =	vmul.f32 v12, v11;
	v10 =	vld [tilespmem:s24+$0x420]  }
0x204: {  	[tilespmem:s24+$0x40] =	vst v5;
	v5 =	vmul.f32 v6, v11;
	v6 =	vld [tilespmem:s24+$0x430]  }
0x205: {  	[tilespmem:s24+$0x50] =	vst v4;
	v4 =	vmul.f32 v7, v11;
	v7 =	vld [tilespmem:s24+$0x440]  }
0x206: {  	[tilespmem:s24+$0x60] =	vst v5;
	v5 =	vmul.f32 v8, v11;
	v8 =	vld [tilespmem:s24+$0x450]  }
0x207: {  	[tilespmem:s24+$0x70] =	vst v4;
	v4 =	vmul.f32 v9, v11;
	v9 =	vld [tilespmem:s24+$0x460]  }
0x208: {  	[tilespmem:s24+$0x400] =	vst v5;
	v5 =	vmul.f32 v10, v11;
	v10 =	vld [tilespmem:s24+$0x470]  }
0x209: {  	[tilespmem:s24+$0x410] =	vst v4;
	v4 =	vmul.f32 v6, v11;
	v6 =	vld [tilespmem:s17+$0x10]  }
0x20a: {  	[tilespmem:s24+$0x420] =	vst v5;
	v5 =	vmul.f32 v7, v11;
	v7 =	vld [tilespmem:s17+$0x20]  }
0x20b: {  	[tilespmem:s24+$0x430] =	vst v4;
	v4 =	vmul.f32 v8, v11;
	v8 =	vld [tilespmem:s17+$0x30]  }
0x20c: {  	[tilespmem:s24+$0x440] =	vst v5;
	v5 =	vmul.f32 v9, v11;
	v9 =	vld [tilespmem:s17+$0x40]  }
0x20d: {  	[tilespmem:s24+$0x450] =	vst v4;
	v4 =	vmul.f32 v10, v11;
	v10 =	vld [tilespmem:s17+$0x50]  }
0x20e: {  	[tilespmem:s24+$0x460] =	vst v5;
	v5 =	vmul.f32 v6, v3;
	v11 =	vld [tilespmem:s17+$0x60]  }
0x20f: {  	[tilespmem:s24+$0x470] =	vst v4;
	v4 =	vmul.f32 v7, v3;
	v7 =	vld [tilespmem:s17+$0x70]  }
0x210: {  	[tilespmem:s17+$0x10] =	vst v5;
	v5 =	vmul.f32 v8, v3;
	v8 =	vld [tilespmem:s17+$0x400]  }
.Ltmp3:
0x211: {  	[tilespmem:s17+$0x20] =	vst v4;
	v9 =	vmul.f32 v9, v3;
	v6 =	vld [tilespmem:s17+$0x410];
	(pc) =	sbr.rel @p0 .LBB2_8-.Ltmp3, $4  }
0x212: {  	[tilespmem:s17+$0x30] =	vst v5;
	v10 =	vmul.f32 v10, v3;
	v4 =	vld [tilespmem:s17+$0x420]  }
0x213: {  	[tilespmem:s17+$0x40] =	vst v9;
	v9 =	vmul.f32 v11, v3;
	v5 =	vld [tilespmem:s17+$0x430]  }
0x214: {  	[tilespmem:s17+$0x50] =	vst v10;
	v10 =	vmul.f32 v7, v3;
	v7 =	vld [tilespmem:s17+$0x440]  }
0x215: {  	s21 =	sadd.s32 $0x100, s21;
	s23 =	sadd.s32 $0x200, s23;
	[tilespmem:s17+$0x60] =	vst v9;
	v9 =	vmul.f32 v8, v3;
	v8 =	vld [tilespmem:s17+$0x450]  }
0x216: {  	[tilespmem:s17+$0x70] =	vst v10;
	v6 =	vmul.f32 v6, v3;
	v61 =	vld [tilespmem:s17+$0x460]  }
0x217: {  	[tilespmem:s17+$0x400] =	vst v9;
	v4 =	vmul.f32 v4, v3  }
0x218: {  	[tilespmem:s17+$0x410] =	vst v6;
	v5 =	vmul.f32 v5, v3  }
0x219: {  	[tilespmem:s17+$0x420] =	vst v4;
	v62 =	vmul.f32 v7, v3  }
0x21a: {  	[tilespmem:s17+$0x430] =	vst v5;
	v63 =	vmul.f32 v8, v3  }
0x21b: {  	[tilespmem:s17+$0x440] =	vst v62;
	v3 =	vmul.f32 v61, v3  }
0x21c: {  	[tilespmem:s17+$0x450] =	vst v63  }
0x21d: {  	[tilespmem:s17+$0x460] =	vst v3  }
0x21e: {  	[hbm4b:s9+s3] =	stream.linear.scatter [tilespmem:s20], [sflag:$0x5], $0x4800, $0x38;
	[tilespmem:$0x1B180] =	vst v63  }
0x21f: {  	_ =	swait.ge [sflag:s15], $0x4800  }
0x220: {  	[sflag:s15] =	ssyncset.done $0x0  }
0x221: {  	[sflag:s15] =	ssyncadd.s32 $0xFFFFB800  }
0x222: {  	_ =	swait.ge [sflag:s15], $0x4800  }
0x223: {  	[sflag:s15] =	ssyncset.done $0x0  }
0x224: {  	s16 =	sadd.s32 $0x1, s16;
	[sflag:s15] =	ssyncadd.s32 $0xFFFFB800  }
0x225: {  	p0 =	sne.s32 s16, s10;
	_ =	swait.ge [sflag:s15], $0x4800  }
.Ltmp4:
0x226: {  	[sflag:s15] =	ssyncset.done $0x0;
	(pc) =	sbr.rel @p0 .LBB2_1-.Ltmp4, $4  }
0x227: {  	[sflag:s15] =	ssyncadd.s32 $0xFFFFB800  }
0x228: {  	_ =	swait.ge [sflag:s15], $0x4800  }
0x229: {  	[sflag:s15] =	ssyncset.done $0x0  }
0x22a: {  	[sflag:s15] =	ssyncadd.s32 $0xFFFFB800  }
0x22b: {  	_ =	sfence.sel $0x180000  }
0x22c: {  	[bflag:$0x0] =	sbarrier.arrive $0xFFFF  }
0x22d: {  	_ =	strace $0x90000047  }
0x22e: {  	s0 =	stileid.u32;
	[bflag:$0x2] =	sbarrier.arrive $0xFFFF  }
0x22f: {  	p0 =	sne.s32 s0, $0x0;
	s0 =	rddreg [dreg:$0x3]  }
0x230: {  	s0 =	sadd.s32 @!p0 $0x100000, s0  }
0x231: {  	[sflag:s0] =	ssyncadd.tile.s32 @!p0 $0x1;
	_ =	shalt  }
.Lfunc_end2:
_tile_overlayer_lowered:
.L_overlay_start_2:
0x232: {  	(tag) =	ssettag $0x2  }
0x233: {  	s0 =	rddreg [dreg:$0x0];
	s2 =	stileid.u32  }
0x234: {  	s1 =	rddreg [dreg:$0x1];
	p0 =	sne.s32 s2, $0x0  }
0x235: {  	s3 =	rddreg [dreg:$0x2];
	[bflag:$0x3] =	sbarrier.arrive $0xFFFF;
	s2 =	simm.s32 @!p0 $0x1C06  }
0x236: {  	[timem:s3], [sflag:s2] =	dma.local @!p0 [hbm:s0], s1  }
0x237: {  	s0 =	simm.s32 @!p0 $0x6  }
0x238: {  	_ =	swait.ge @!p0 [sflag:s0], s1  }
0x239: {  	s1 =	ssub.s32 @!p0 $0x0, s1;
	[sflag:s0] =	ssyncset.done @!p0 $0x0  }
0x23a: {  	[sflag:s0] =	ssyncadd.s32 @!p0 s1  }
0x23b: {  	[bflag:$0x3] =	sbarrier.arrive $0xFFFF  }
0x23c: {  	_ =	shalt  }

</sc_bundles>
